<compile_context>
chip_gen: v7x
topology: tpu7x:2x2x1
jax: 0.10.2.dev20260603
libtpu: 0.0.44.dev20260713+nightly
codegen_flags: <defaults>
</compile_context>

<pallas_src>
import jax
import jax.numpy as jnp
from jax import lax
from jax.experimental import pallas as pl
from jax.experimental.pallas import tpu as pltpu

_N = 20000
_ROWS = 160
_NP = _ROWS * 128
_K = 300
_IOU_THR = 0.7
_W = 2048


def _nms_body(d0, d1, d2, d3, a0, a1, a2, a3, img, out_ref,
              y1c, x1c, y2c, x2c, ry1, rx1, ry2, rx2,
              ky1, kx1, ky2, kx2, karea):
    f32 = jnp.float32
    h = img[0, 0]
    w = img[0, 1]

    A0, A1, A2, A3 = a0[...], a1[...], a2[...], a3[...]
    heights = A2 - A0
    widths = A3 - A1
    ctr_y = A0 + 0.5 * heights
    ctr_x = A1 + 0.5 * widths
    pred_cy = d0[...] * heights + ctr_y
    pred_cx = d1[...] * widths + ctr_x
    pred_h = jnp.exp(d2[...]) * heights
    pred_w = jnp.exp(d3[...]) * widths
    y1c[...] = jnp.minimum(jnp.maximum(pred_cy - 0.5 * pred_h, 0.0), h)
    x1c[...] = jnp.minimum(jnp.maximum(pred_cx - 0.5 * pred_w, 0.0), w)
    y2c[...] = jnp.minimum(jnp.maximum(pred_cy + 0.5 * pred_h, 0.0), h)
    x2c[...] = jnp.minimum(jnp.maximum(pred_cx + 0.5 * pred_w, 0.0), w)

    zero_vreg = jnp.zeros((8, 128), f32)
    ky1[...] = zero_vreg
    kx1[...] = zero_vreg
    ky2[...] = zero_vreg
    kx2[...] = zero_vreg
    karea[...] = zero_vreg
    out_ref[...] = jnp.zeros((_K + 4, 128), f32)

    lane1 = lax.broadcasted_iota(jnp.int32, (1, 128), 1)
    sub8 = lax.broadcasted_iota(jnp.int32, (8, 128), 0)
    lane8 = lax.broadcasted_iota(jnp.int32, (8, 128), 1)
    ones128 = jnp.ones((128, 128), f32)

    def outer_cond(c):
        i, k = c
        return jnp.logical_and(i < _N, k < _K)

    def outer_body(c):
        i, k = c
        wrow = i // 128

        for r in range(_W // 128):
            src = pl.ds(wrow + r, 1)
            dst = slice(128 * r, 128 * (r + 1))
            for plane, rep in ((y1c, ry1), (x1c, rx1),
                               (y2c, ry2), (x2c, rx2)):
                row = plane[src]
                blk = jnp.broadcast_to(row, (128, 128))
                rep[dst, :] = blk.T

        def inner_cond(c2):
            j, k2 = c2
            return jnp.logical_and(
                j < _W, jnp.logical_and(k2 < _K, i + j < _N))

        def inner_body(c2):
            j, k2 = c2
            by1 = jnp.broadcast_to(ry1[pl.ds(j, 1)], (8, 128))
            bx1 = jnp.broadcast_to(rx1[pl.ds(j, 1)], (8, 128))
            by2 = jnp.broadcast_to(ry2[pl.ds(j, 1)], (8, 128))
            bx2 = jnp.broadcast_to(rx2[pl.ds(j, 1)], (8, 128))
            yy1 = jnp.maximum(by1, ky1[...])
            xx1 = jnp.maximum(bx1, kx1[...])
            yy2 = jnp.minimum(by2, ky2[...])
            xx2 = jnp.minimum(bx2, kx2[...])
            inter = (jnp.maximum(yy2 - yy1, 0.0)
                     * jnp.maximum(xx2 - xx1, 0.0))
            area_b = (by2 - by1) * (bx2 - bx1)
            union = jnp.maximum(area_b + karea[...] - inter, 1e-8)
            iou = inter / union
            supf = jnp.where(iou > _IOU_THR, 1.0, 0.0)
            cnt = jax.lax.dot_general(
                supf, ones128, (((1,), (0,)), ((), ())),
                preferred_element_type=f32)
            cnt = cnt + pltpu.roll(cnt, 4, 0)
            cnt = cnt + pltpu.roll(cnt, 2, 0)
            cnt = cnt + pltpu.roll(cnt, 1, 0)
            keep = cnt[0, 0] < 0.5

            slot = jnp.where(keep, k2, 1000)
            msk = jnp.logical_and(sub8 == slot // 128, lane8 == slot % 128)
            z = f32(0.0)
            ky1[...] = jnp.where(msk, jnp.where(keep, by1, z), ky1[...])
            kx1[...] = jnp.where(msk, jnp.where(keep, bx1, z), kx1[...])
            ky2[...] = jnp.where(msk, jnp.where(keep, by2, z), ky2[...])
            kx2[...] = jnp.where(msk, jnp.where(keep, bx2, z), kx2[...])
            karea[...] = jnp.where(msk, jnp.where(keep, area_b, z),
                                   karea[...])

            orow = jnp.where(keep, k2, _K + 2)
            rowv = jnp.where(lane1 == 0, by1[0:1, :], z)
            rowv = jnp.where(lane1 == 1, bx1[0:1, :], rowv)
            rowv = jnp.where(lane1 == 2, by2[0:1, :], rowv)
            rowv = jnp.where(lane1 == 3, bx2[0:1, :], rowv)
            out_ref[pl.ds(orow, 1), :] = rowv
            return (j + 1, k2 + keep.astype(jnp.int32))

        _, k_new = lax.while_loop(inner_cond, inner_body,
                                  (jnp.int32(0), k))
        return (i + _W, k_new)

    lax.while_loop(outer_cond, outer_body, (jnp.int32(0), jnp.int32(0)))


@jax.jit
def kernel(bboxes_txtytwth, anchors, scores, image_shape):
    order = jnp.argsort(-scores, stable=True)
    bboxes_txtytwth = bboxes_txtytwth[order]
    anchors = anchors[order]
    pad = _NP - _N

    def prep(col):
        return jnp.pad(col, (0, pad)).reshape(_ROWS, 128)

    args = [prep(bboxes_txtytwth[:, c]) for c in range(4)]
    args += [prep(anchors[:, c]) for c in range(4)]
    args.append(image_shape.reshape(1, 2))

    plane = pltpu.VMEM((_ROWS, 128), jnp.float32)
    rep = pltpu.VMEM((_W, 128), jnp.float32)
    vreg = pltpu.VMEM((8, 128), jnp.float32)
    out = pl.pallas_call(
        _nms_body,
        out_shape=jax.ShapeDtypeStruct((_K + 4, 128), jnp.float32),
        scratch_shapes=[plane] * 4 + [rep] * 4 + [vreg] * 5,
    )(*args)
    return out[:_K, :4]

# --- scband reference (transcript-rebuilt; emitter-appended) ---
"""Pipeline reference for scband-region-proposal-2439541424356 (READ-ONLY COPY).

The authoritative reference and input builder live on the scoring server;
editing this copy changes nothing except your own understanding.
"""

import jax, jax.numpy as jnp
import numpy as np

N = 20000
NUM_POST_NMS = 300  # inference path (training=None -> test branch)
IOU_THR = 0.7
TARGET_MEANS = jnp.array([0.0, 0.0, 0.0, 0.0], dtype=jnp.float32)
TARGET_STDS = jnp.array([1.0, 1.0, 1.0, 1.0], dtype=jnp.float32)


def setup_inputs(seed: int = 0) -> dict:
    key = jax.random.key(seed)
    k1, k2, k3, k4, k5, k6 = jax.random.split(key, 6)
    H, W = 800.0, 1333.0
    cy = jax.random.uniform(k1, (N,)) * H
    cx = jax.random.uniform(k2, (N,)) * W
    h = jax.random.uniform(k3, (N,)) * 256.0 + 16.0
    w = jax.random.uniform(k4, (N,)) * 256.0 + 16.0
    anchors = jnp.stack([cy - 0.5 * h, cx - 0.5 * w, cy + 0.5 * h, cx + 0.5 * w], axis=1)
    bboxes_txtytwth = jax.random.normal(k5, (N, 4), dtype=jnp.float32) * 0.1
    scores = jax.random.uniform(k6, (N,), dtype=jnp.float32)
    image_shape = jnp.array([H, W], dtype=jnp.float32)
    return {
        'bboxes_txtytwth': bboxes_txtytwth,
        'anchors': anchors,
        'scores': scores,
        'image_shape': image_shape,
    }


def decode_bbox_with_mean_and_std(anchors, deltas, means, stds):
    # deltas: (ty, tx, th, tw) normalized by target means/stds; anchors: (y1, x1, y2, x2)
    deltas = deltas * stds + means
    heights = anchors[:, 2] - anchors[:, 0]
    widths = anchors[:, 3] - anchors[:, 1]
    ctr_y = anchors[:, 0] + 0.5 * heights
    ctr_x = anchors[:, 1] + 0.5 * widths
    dy, dx, dh, dw = deltas[:, 0], deltas[:, 1], deltas[:, 2], deltas[:, 3]
    pred_cy = dy * heights + ctr_y
    pred_cx = dx * widths + ctr_x
    pred_h = jnp.exp(dh) * heights
    pred_w = jnp.exp(dw) * widths
    return jnp.stack([
        pred_cy - 0.5 * pred_h,
        pred_cx - 0.5 * pred_w,
        pred_cy + 0.5 * pred_h,
        pred_cx + 0.5 * pred_w,
    ], axis=1)


def bboxes_clip_filter(bboxes, vmin, h, w):
    y1 = jnp.clip(bboxes[:, 0], vmin, h)
    x1 = jnp.clip(bboxes[:, 1], vmin, w)
    y2 = jnp.clip(bboxes[:, 2], vmin, h)
    x2 = jnp.clip(bboxes[:, 3], vmin, w)
    clipped = jnp.stack([y1, x1, y2, x2], axis=1)
    return clipped, jnp.arange(bboxes.shape[0])


def _iou_one_vs_all(box, boxes):
    yy1 = jnp.maximum(box[0], boxes[:, 0])
    xx1 = jnp.maximum(box[1], boxes[:, 1])
    yy2 = jnp.minimum(box[2], boxes[:, 2])
    xx2 = jnp.minimum(box[3], boxes[:, 3])
    inter = jnp.maximum(yy2 - yy1, 0.0) * jnp.maximum(xx2 - xx1, 0.0)
    area_b = (box[2] - box[0]) * (box[3] - box[1])
    areas = (boxes[:, 2] - boxes[:, 0]) * (boxes[:, 3] - boxes[:, 1])
    union = jnp.maximum(area_b + areas - inter, 1e-8)
    return inter / union


def non_max_suppression(boxes, scores, max_output_size, iou_threshold):
    # Greedy NMS matching tf.image.non_max_suppression semantics; returns
    # a fixed-size index vector padded with -1.
    def body(i, state):
        sel, live_scores = state
        idx = jnp.argmax(live_scores)
        valid = live_scores[idx] > -jnp.inf
        sel = sel.at[i].set(jnp.where(valid, idx.astype(jnp.int32), -1))
        ious = _iou_one_vs_all(boxes[idx], boxes)
        suppress = ious > iou_threshold
        live_scores = jnp.where(suppress, -jnp.inf, live_scores)
        live_scores = live_scores.at[idx].set(-jnp.inf)
        return sel, live_scores

    sel0 = -jnp.ones((max_output_size,), dtype=jnp.int32)
    sel, _ = jax.lax.fori_loop(0, max_output_size, body, (sel0, scores))
    return sel


def reference(bboxes_txtytwth, anchors, scores, image_shape):
    decoded = decode_bbox_with_mean_and_std(anchors, bboxes_txtytwth, TARGET_MEANS, TARGET_STDS)
    decoded, _ = bboxes_clip_filter(decoded, 0.0, image_shape[0], image_shape[1])
    selected_idx = non_max_suppression(decoded, scores, NUM_POST_NMS, IOU_THR)
    gathered = decoded[jnp.maximum(selected_idx, 0)]
    out = jnp.where(selected_idx[:, None] >= 0, gathered, 0.0)
    return jax.lax.stop_gradient(out)

if __name__ == "__main__":
    import jax
    _d = setup_inputs()
    print(jax.jit(kernel)(*tuple(_d.values())))

</pallas_src>

<mosaic_0001>
module attributes {stable_mosaic.version = 14 : i64} {
  func.func @_nms_body(%arg0: memref<160x128xf32, #tpu.memory_space<vmem>>, %arg1: memref<160x128xf32, #tpu.memory_space<vmem>>, %arg2: memref<160x128xf32, #tpu.memory_space<vmem>>, %arg3: memref<160x128xf32, #tpu.memory_space<vmem>>, %arg4: memref<160x128xf32, #tpu.memory_space<vmem>>, %arg5: memref<160x128xf32, #tpu.memory_space<vmem>>, %arg6: memref<160x128xf32, #tpu.memory_space<vmem>>, %arg7: memref<160x128xf32, #tpu.memory_space<vmem>>, %arg8: memref<1x2xf32, #tpu.memory_space<vmem>>, %arg9: memref<304x128xf32, #tpu.memory_space<vmem>>, %arg10: memref<160x128xf32, #tpu.memory_space<vmem>>, %arg11: memref<160x128xf32, #tpu.memory_space<vmem>>, %arg12: memref<160x128xf32, #tpu.memory_space<vmem>>, %arg13: memref<160x128xf32, #tpu.memory_space<vmem>>, %arg14: memref<2048x128xf32, #tpu.memory_space<vmem>>, %arg15: memref<2048x128xf32, #tpu.memory_space<vmem>>, %arg16: memref<2048x128xf32, #tpu.memory_space<vmem>>, %arg17: memref<2048x128xf32, #tpu.memory_space<vmem>>, %arg18: memref<8x128xf32, #tpu.memory_space<vmem>>, %arg19: memref<8x128xf32, #tpu.memory_space<vmem>>, %arg20: memref<8x128xf32, #tpu.memory_space<vmem>>, %arg21: memref<8x128xf32, #tpu.memory_space<vmem>>, %arg22: memref<8x128xf32, #tpu.memory_space<vmem>>) attributes {dimension_semantics = [], scalar_prefetch = 0 : i64, scratch_operands = 13 : i64, tpu.core_type = #tpu.core_type<tc>} {
    %get3A = arith.constant 0 : index
    %get3A_0 = arith.constant 0 : index
    %get3A_1 = vector.load %arg8[%get3A, %get3A_0] : memref<1x2xf32, #tpu.memory_space<vmem>>, vector<1x1xf32>
    %get3A_2 = vector.extract %get3A_1[0, 0] : f32 from vector<1x1xf32>
    %get3A_3 = arith.constant 0 : index
    %get3A_4 = arith.constant 1 : index
    %get3A_5 = vector.load %arg8[%get3A_3, %get3A_4] : memref<1x2xf32, #tpu.memory_space<vmem>>, vector<1x1xf32>
    %get3A_6 = vector.extract %get3A_5[0, 0] : f32 from vector<1x1xf32>
    %get3A_7 = arith.constant 0 : index
    %get3A_8 = arith.constant 0 : index
    %get3A_9 = vector.load %arg4[%get3A_7, %get3A_8] : memref<160x128xf32, #tpu.memory_space<vmem>>, vector<160x128xf32>
    %get3A_10 = arith.constant 0 : index
    %get3A_11 = arith.constant 0 : index
    %get3A_12 = vector.load %arg5[%get3A_10, %get3A_11] : memref<160x128xf32, #tpu.memory_space<vmem>>, vector<160x128xf32>
    %get3A_13 = arith.constant 0 : index
    %get3A_14 = arith.constant 0 : index
    %get3A_15 = vector.load %arg6[%get3A_13, %get3A_14] : memref<160x128xf32, #tpu.memory_space<vmem>>, vector<160x128xf32>
    %get3A_16 = arith.constant 0 : index
    %get3A_17 = arith.constant 0 : index
    %get3A_18 = vector.load %arg7[%get3A_16, %get3A_17] : memref<160x128xf32, #tpu.memory_space<vmem>>, vector<160x128xf32>
    %sub3A = arith.subf %get3A_15, %get3A_9 : vector<160x128xf32>
    %sub3A_19 = arith.subf %get3A_18, %get3A_12 : vector<160x128xf32>
    %mul3A = arith.constant 5.000000e-01 : f32
    %mul3A_20 = vector.broadcast %mul3A : f32 to vector<160x128xf32>
    %mul3A_21 = arith.mulf %mul3A_20, %sub3A : vector<160x128xf32>
    %add3A = arith.addf %get3A_9, %mul3A_21 : vector<160x128xf32>
    %mul3A_22 = arith.constant 5.000000e-01 : f32
    %mul3A_23 = vector.broadcast %mul3A_22 : f32 to vector<160x128xf32>
    %mul3A_24 = arith.mulf %mul3A_23, %sub3A_19 : vector<160x128xf32>
    %add3A_25 = arith.addf %get3A_12, %mul3A_24 : vector<160x128xf32>
    %get3A_26 = arith.constant 0 : index
    %get3A_27 = arith.constant 0 : index
    %get3A_28 = vector.load %arg0[%get3A_26, %get3A_27] : memref<160x128xf32, #tpu.memory_space<vmem>>, vector<160x128xf32>
    %mul3A_29 = arith.mulf %get3A_28, %sub3A : vector<160x128xf32>
    %add3A_30 = arith.addf %mul3A_29, %add3A : vector<160x128xf32>
    %get3A_31 = arith.constant 0 : index
    %get3A_32 = arith.constant 0 : index
    %get3A_33 = vector.load %arg1[%get3A_31, %get3A_32] : memref<160x128xf32, #tpu.memory_space<vmem>>, vector<160x128xf32>
    %mul3A_34 = arith.mulf %get3A_33, %sub3A_19 : vector<160x128xf32>
    %add3A_35 = arith.addf %mul3A_34, %add3A_25 : vector<160x128xf32>
    %get3A_36 = arith.constant 0 : index
    %get3A_37 = arith.constant 0 : index
    %get3A_38 = vector.load %arg2[%get3A_36, %get3A_37] : memref<160x128xf32, #tpu.memory_space<vmem>>, vector<160x128xf32>
    %exp3A = math.exp %get3A_38 : vector<160x128xf32>
    %mul3A_39 = arith.mulf %exp3A, %sub3A : vector<160x128xf32>
    %get3A_40 = arith.constant 0 : index
    %get3A_41 = arith.constant 0 : index
    %get3A_42 = vector.load %arg3[%get3A_40, %get3A_41] : memref<160x128xf32, #tpu.memory_space<vmem>>, vector<160x128xf32>
    %exp3A_43 = math.exp %get3A_42 : vector<160x128xf32>
    %mul3A_44 = arith.mulf %exp3A_43, %sub3A_19 : vector<160x128xf32>
    %mul3A_45 = arith.constant 5.000000e-01 : f32
    %mul3A_46 = vector.broadcast %mul3A_45 : f32 to vector<160x128xf32>
    %mul3A_47 = arith.mulf %mul3A_46, %mul3A_39 : vector<160x128xf32>
    %sub3A_48 = arith.subf %add3A_30, %mul3A_47 : vector<160x128xf32>
    %max3A = arith.constant 0.000000e+00 : f32
    %max3A_49 = vector.broadcast %max3A : f32 to vector<160x128xf32>
    %max3A_50 = arith.maximumf %sub3A_48, %max3A_49 : vector<160x128xf32>
    %min3A = vector.broadcast %get3A_2 : f32 to vector<160x128xf32>
    %min3A_51 = arith.minimumf %max3A_50, %min3A : vector<160x128xf32>
    %swap3A = arith.constant 0 : index
    %swap3A_52 = arith.constant 0 : index
    %swap3A_53 = vector.load %arg10[%swap3A, %swap3A_52] : memref<160x128xf32, #tpu.memory_space<vmem>>, vector<160x128xf32>
    tpu.vector_store %arg10[%swap3A, %swap3A_52], %min3A_51 {strides = array<i32>} : memref<160x128xf32, #tpu.memory_space<vmem>>, vector<160x128xf32>,
    %mul3A_54 = arith.constant 5.000000e-01 : f32
    %mul3A_55 = vector.broadcast %mul3A_54 : f32 to vector<160x128xf32>
    %mul3A_56 = arith.mulf %mul3A_55, %mul3A_44 : vector<160x128xf32>
    %sub3A_57 = arith.subf %add3A_35, %mul3A_56 : vector<160x128xf32>
    %max3A_58 = arith.constant 0.000000e+00 : f32
    %max3A_59 = vector.broadcast %max3A_58 : f32 to vector<160x128xf32>
    %max3A_60 = arith.maximumf %sub3A_57, %max3A_59 : vector<160x128xf32>
    %min3A_61 = vector.broadcast %get3A_6 : f32 to vector<160x128xf32>
    %min3A_62 = arith.minimumf %max3A_60, %min3A_61 : vector<160x128xf32>
    %swap3A_63 = arith.constant 0 : index
    %swap3A_64 = arith.constant 0 : index
    %swap3A_65 = vector.load %arg11[%swap3A_63, %swap3A_64] : memref<160x128xf32, #tpu.memory_space<vmem>>, vector<160x128xf32>
    tpu.vector_store %arg11[%swap3A_63, %swap3A_64], %min3A_62 {strides = array<i32>} : memref<160x128xf32, #tpu.memory_space<vmem>>, vector<160x128xf32>,
    %mul3A_66 = arith.constant 5.000000e-01 : f32
    %mul3A_67 = vector.broadcast %mul3A_66 : f32 to vector<160x128xf32>
    %mul3A_68 = arith.mulf %mul3A_67, %mul3A_39 : vector<160x128xf32>
    %add3A_69 = arith.addf %add3A_30, %mul3A_68 : vector<160x128xf32>
    %max3A_70 = arith.constant 0.000000e+00 : f32
    %max3A_71 = vector.broadcast %max3A_70 : f32 to vector<160x128xf32>
    %max3A_72 = arith.maximumf %add3A_69, %max3A_71 : vector<160x128xf32>
    %min3A_73 = vector.broadcast %get3A_2 : f32 to vector<160x128xf32>
    %min3A_74 = arith.minimumf %max3A_72, %min3A_73 : vector<160x128xf32>
    %swap3A_75 = arith.constant 0 : index
    %swap3A_76 = arith.constant 0 : index
    %swap3A_77 = vector.load %arg12[%swap3A_75, %swap3A_76] : memref<160x128xf32, #tpu.memory_space<vmem>>, vector<160x128xf32>
    tpu.vector_store %arg12[%swap3A_75, %swap3A_76], %min3A_74 {strides = array<i32>} : memref<160x128xf32, #tpu.memory_space<vmem>>, vector<160x128xf32>,
    %mul3A_78 = arith.constant 5.000000e-01 : f32
    %mul3A_79 = vector.broadcast %mul3A_78 : f32 to vector<160x128xf32>
    %mul3A_80 = arith.mulf %mul3A_79, %mul3A_44 : vector<160x128xf32>
    %add3A_81 = arith.addf %add3A_35, %mul3A_80 : vector<160x128xf32>
    %max3A_82 = arith.constant 0.000000e+00 : f32
    %max3A_83 = vector.broadcast %max3A_82 : f32 to vector<160x128xf32>
    %max3A_84 = arith.maximumf %add3A_81, %max3A_83 : vector<160x128xf32>
    %min3A_85 = vector.broadcast %get3A_6 : f32 to vector<160x128xf32>
    %min3A_86 = arith.minimumf %max3A_84, %min3A_85 : vector<160x128xf32>
    %swap3A_87 = arith.constant 0 : index
    %swap3A_88 = arith.constant 0 : index
    %swap3A_89 = vector.load %arg13[%swap3A_87, %swap3A_88] : memref<160x128xf32, #tpu.memory_space<vmem>>, vector<160x128xf32>
    tpu.vector_store %arg13[%swap3A_87, %swap3A_88], %min3A_86 {strides = array<i32>} : memref<160x128xf32, #tpu.memory_space<vmem>>, vector<160x128xf32>,
    %broadcast_in_dim3A = arith.constant 0.000000e+00 : f32
    %broadcast_in_dim3A_90 = vector.broadcast %broadcast_in_dim3A : f32 to vector<8x128xf32>
    %swap3A_91 = arith.constant 0 : index
    %swap3A_92 = arith.constant 0 : index
    %swap3A_93 = vector.load %arg18[%swap3A_91, %swap3A_92] : memref<8x128xf32, #tpu.memory_space<vmem>>, vector<8x128xf32>
    tpu.vector_store %arg18[%swap3A_91, %swap3A_92], %broadcast_in_dim3A_90 {strides = array<i32>} : memref<8x128xf32, #tpu.memory_space<vmem>>, vector<8x128xf32>,
    %swap3A_94 = arith.constant 0 : index
    %swap3A_95 = arith.constant 0 : index
    %swap3A_96 = vector.load %arg19[%swap3A_94, %swap3A_95] : memref<8x128xf32, #tpu.memory_space<vmem>>, vector<8x128xf32>
    tpu.vector_store %arg19[%swap3A_94, %swap3A_95], %broadcast_in_dim3A_90 {strides = array<i32>} : memref<8x128xf32, #tpu.memory_space<vmem>>, vector<8x128xf32>,
    %swap3A_97 = arith.constant 0 : index
    %swap3A_98 = arith.constant 0 : index
    %swap3A_99 = vector.load %arg20[%swap3A_97, %swap3A_98] : memref<8x128xf32, #tpu.memory_space<vmem>>, vector<8x128xf32>
    tpu.vector_store %arg20[%swap3A_97, %swap3A_98], %broadcast_in_dim3A_90 {strides = array<i32>} : memref<8x128xf32, #tpu.memory_space<vmem>>, vector<8x128xf32>,
    %swap3A_100 = arith.constant 0 : index
    %swap3A_101 = arith.constant 0 : index
    %swap3A_102 = vector.load %arg21[%swap3A_100, %swap3A_101] : memref<8x128xf32, #tpu.memory_space<vmem>>, vector<8x128xf32>
    tpu.vector_store %arg21[%swap3A_100, %swap3A_101], %broadcast_in_dim3A_90 {strides = array<i32>} : memref<8x128xf32, #tpu.memory_space<vmem>>, vector<8x128xf32>,
    %swap3A_103 = arith.constant 0 : index
    %swap3A_104 = arith.constant 0 : index
    %swap3A_105 = vector.load %arg22[%swap3A_103, %swap3A_104] : memref<8x128xf32, #tpu.memory_space<vmem>>, vector<8x128xf32>
    tpu.vector_store %arg22[%swap3A_103, %swap3A_104], %broadcast_in_dim3A_90 {strides = array<i32>} : memref<8x128xf32, #tpu.memory_space<vmem>>, vector<8x128xf32>,
    %broadcast_in_dim3A_106 = arith.constant 0.000000e+00 : f32
    %broadcast_in_dim3A_107 = vector.broadcast %broadcast_in_dim3A_106 : f32 to vector<304x128xf32>
    %swap3A_108 = arith.constant 0 : index
    %swap3A_109 = arith.constant 0 : index
    %swap3A_110 = vector.load %arg9[%swap3A_108, %swap3A_109] : memref<304x128xf32, #tpu.memory_space<vmem>>, vector<304x128xf32>
    tpu.vector_store %arg9[%swap3A_108, %swap3A_109], %broadcast_in_dim3A_107 {strides = array<i32>} : memref<304x128xf32, #tpu.memory_space<vmem>>, vector<304x128xf32>,
    %iota3A = tpu.iota {dimensions = array<i32: 1>} : vector<1x128xi32>
    %iota3A_111 = tpu.iota {dimensions = array<i32: 0>} : vector<8x128xi32>
    %iota3A_112 = tpu.iota {dimensions = array<i32: 1>} : vector<8x128xi32>
    %broadcast_in_dim3A_113 = arith.constant 1.000000e+00 : f32
    %broadcast_in_dim3A_114 = vector.broadcast %broadcast_in_dim3A_113 : f32 to vector<128x128xf32>
    %while3A = arith.constant 0 : i32
    %while3A_115 = arith.constant 0 : i32
    %while3A_116:2 = scf.while (%while3A_117 = %while3A, %while3A_118 = %while3A_115) : (i32, i32) -> (i32, i32) {
      %lt3A = arith.constant 20000 : i32
      %lt3A_119 = arith.cmpi slt, %while3A_117, %lt3A : i32
      %lt3A_120 = arith.constant 300 : i32
      %lt3A_121 = arith.cmpi slt, %while3A_118, %lt3A_120 : i32
      %and3A = arith.andi %lt3A_119, %lt3A_121 : i1
      scf.condition(%and3A) %while3A_117, %while3A_118 : i32, i32
    } do {
    ^bb0(%while3A_117: i32, %while3A_118: i32):
      %jit3A = arith.constant 128 : i32
      %div3A = arith.divsi %while3A_117, %jit3A : i32
      %sign3A = arith.constant 0 : i32
      %sign3A_119 = arith.cmpi sgt, %while3A_117, %sign3A : i32
      %sign3A_120 = arith.extui %sign3A_119 : i1 to i32
      %sign3A_121 = arith.constant 0 : i32
      %sign3A_122 = arith.cmpi slt, %while3A_117, %sign3A_121 : i32
      %sign3A_123 = arith.extui %sign3A_122 : i1 to i32
      %sign3A_124 = arith.subi %sign3A_120, %sign3A_123 : i32
      %sign3A_125 = arith.constant 0 : i32
      %sign3A_126 = arith.cmpi sgt, %jit3A, %sign3A_125 : i32
      %sign3A_127 = arith.extui %sign3A_126 : i1 to i32
      %sign3A_128 = arith.constant 0 : i32
      %sign3A_129 = arith.cmpi slt, %jit3A, %sign3A_128 : i32
      %sign3A_130 = arith.extui %sign3A_129 : i1 to i32
      %sign3A_131 = arith.subi %sign3A_127, %sign3A_130 : i32
      %ne3A = arith.cmpi ne, %sign3A_124, %sign3A_131 : i32
      %rem3A = arith.remsi %while3A_117, %jit3A : i32
      %ne3A_132 = arith.constant 0 : i32
      %ne3A_133 = arith.cmpi ne, %rem3A, %ne3A_132 : i32
      %and3A = arith.andi %ne3A, %ne3A_133 : i1
      %sub3A_134 = arith.constant 1 : i32
      %sub3A_135 = arith.subi %div3A, %sub3A_134 : i32
      %select_n3A = arith.select %and3A, %sub3A_135, %div3A : i32
      %add3A_136 = arith.constant 0 : i32
      %add3A_137 = arith.addi %select_n3A, %add3A_136 : i32
      %get3A_138 = arith.index_cast %add3A_137 : i32 to index
      %get3A_139 = arith.constant 0 : index
      %get3A_140 = vector.load %arg10[%get3A_138, %get3A_139] : memref<160x128xf32, #tpu.memory_space<vmem>>, vector<1x128xf32>
      %broadcast_in_dim3A_141 = vector.shape_cast %get3A_140 : vector<1x128xf32> to vector<1x128xf32>
      %broadcast_in_dim3A_142 = vector.broadcast %broadcast_in_dim3A_141 : vector<1x128xf32> to vector<128x128xf32>
      %transpose3A = tpu.transpose %broadcast_in_dim3A_142, [1, 0] : vector<128x128xf32> -> vector<128x128xf32>
      %swap3A_143 = arith.constant 0 : index
      %swap3A_144 = arith.constant 0 : index
      %swap3A_145 = vector.load %arg14[%swap3A_143, %swap3A_144] : memref<2048x128xf32, #tpu.memory_space<vmem>>, vector<128x128xf32>
      tpu.vector_store %arg14[%swap3A_143, %swap3A_144], %transpose3A {strides = array<i32>} : memref<2048x128xf32, #tpu.memory_space<vmem>>, vector<128x128xf32>,
      %get3A_146 = arith.index_cast %add3A_137 : i32 to index
      %get3A_147 = arith.constant 0 : index
      %get3A_148 = vector.load %arg11[%get3A_146, %get3A_147] : memref<160x128xf32, #tpu.memory_space<vmem>>, vector<1x128xf32>
      %broadcast_in_dim3A_149 = vector.shape_cast %get3A_148 : vector<1x128xf32> to vector<1x128xf32>
      %broadcast_in_dim3A_150 = vector.broadcast %broadcast_in_dim3A_149 : vector<1x128xf32> to vector<128x128xf32>
      %transpose3A_151 = tpu.transpose %broadcast_in_dim3A_150, [1, 0] : vector<128x128xf32> -> vector<128x128xf32>
      %swap3A_152 = arith.constant 0 : index
      %swap3A_153 = arith.constant 0 : index
      %swap3A_154 = vector.load %arg15[%swap3A_152, %swap3A_153] : memref<2048x128xf32, #tpu.memory_space<vmem>>, vector<128x128xf32>
      tpu.vector_store %arg15[%swap3A_152, %swap3A_153], %transpose3A_151 {strides = array<i32>} : memref<2048x128xf32, #tpu.memory_space<vmem>>, vector<128x128xf32>,
      %get3A_155 = arith.index_cast %add3A_137 : i32 to index
      %get3A_156 = arith.constant 0 : index
      %get3A_157 = vector.load %arg12[%get3A_155, %get3A_156] : memref<160x128xf32, #tpu.memory_space<vmem>>, vector<1x128xf32>
      %broadcast_in_dim3A_158 = vector.shape_cast %get3A_157 : vector<1x128xf32> to vector<1x128xf32>
      %broadcast_in_dim3A_159 = vector.broadcast %broadcast_in_dim3A_158 : vector<1x128xf32> to vector<128x128xf32>
      %transpose3A_160 = tpu.transpose %broadcast_in_dim3A_159, [1, 0] : vector<128x128xf32> -> vector<128x128xf32>
      %swap3A_161 = arith.constant 0 : index
      %swap3A_162 = arith.constant 0 : index
      %swap3A_163 = vector.load %arg16[%swap3A_161, %swap3A_162] : memref<2048x128xf32, #tpu.memory_space<vmem>>, vector<128x128xf32>
      tpu.vector_store %arg16[%swap3A_161, %swap3A_162], %transpose3A_160 {strides = array<i32>} : memref<2048x128xf32, #tpu.memory_space<vmem>>, vector<128x128xf32>,
      %get3A_164 = arith.index_cast %add3A_137 : i32 to index
      %get3A_165 = arith.constant 0 : index
      %get3A_166 = vector.load %arg13[%get3A_164, %get3A_165] : memref<160x128xf32, #tpu.memory_space<vmem>>, vector<1x128xf32>
      %broadcast_in_dim3A_167 = vector.shape_cast %get3A_166 : vector<1x128xf32> to vector<1x128xf32>
      %broadcast_in_dim3A_168 = vector.broadcast %broadcast_in_dim3A_167 : vector<1x128xf32> to vector<128x128xf32>
      %transpose3A_169 = tpu.transpose %broadcast_in_dim3A_168, [1, 0] : vector<128x128xf32> -> vector<128x128xf32>
      %swap3A_170 = arith.constant 0 : index
      %swap3A_171 = arith.constant 0 : index
      %swap3A_172 = vector.load %arg17[%swap3A_170, %swap3A_171] : memref<2048x128xf32, #tpu.memory_space<vmem>>, vector<128x128xf32>
      tpu.vector_store %arg17[%swap3A_170, %swap3A_171], %transpose3A_169 {strides = array<i32>} : memref<2048x128xf32, #tpu.memory_space<vmem>>, vector<128x128xf32>,
      %add3A_173 = arith.constant 1 : i32
      %add3A_174 = arith.addi %select_n3A, %add3A_173 : i32
      %get3A_175 = arith.index_cast %add3A_174 : i32 to index
      %get3A_176 = arith.constant 0 : index
      %get3A_177 = vector.load %arg10[%get3A_175, %get3A_176] : memref<160x128xf32, #tpu.memory_space<vmem>>, vector<1x128xf32>
      %broadcast_in_dim3A_178 = vector.shape_cast %get3A_177 : vector<1x128xf32> to vector<1x128xf32>
      %broadcast_in_dim3A_179 = vector.broadcast %broadcast_in_dim3A_178 : vector<1x128xf32> to vector<128x128xf32>
      %transpose3A_180 = tpu.transpose %broadcast_in_dim3A_179, [1, 0] : vector<128x128xf32> -> vector<128x128xf32>
      %swap3A_181 = arith.constant 128 : index
      %swap3A_182 = arith.constant 0 : index
      %swap3A_183 = vector.load %arg14[%swap3A_181, %swap3A_182] : memref<2048x128xf32, #tpu.memory_space<vmem>>, vector<128x128xf32>
      tpu.vector_store %arg14[%swap3A_181, %swap3A_182], %transpose3A_180 {strides = array<i32>} : memref<2048x128xf32, #tpu.memory_space<vmem>>, vector<128x128xf32>,
      %get3A_184 = arith.index_cast %add3A_174 : i32 to index
      %get3A_185 = arith.constant 0 : index
      %get3A_186 = vector.load %arg11[%get3A_184, %get3A_185] : memref<160x128xf32, #tpu.memory_space<vmem>>, vector<1x128xf32>
      %broadcast_in_dim3A_187 = vector.shape_cast %get3A_186 : vector<1x128xf32> to vector<1x128xf32>
      %broadcast_in_dim3A_188 = vector.broadcast %broadcast_in_dim3A_187 : vector<1x128xf32> to vector<128x128xf32>
      %transpose3A_189 = tpu.transpose %broadcast_in_dim3A_188, [1, 0] : vector<128x128xf32> -> vector<128x128xf32>
      %swap3A_190 = arith.constant 128 : index
      %swap3A_191 = arith.constant 0 : index
      %swap3A_192 = vector.load %arg15[%swap3A_190, %swap3A_191] : memref<2048x128xf32, #tpu.memory_space<vmem>>, vector<128x128xf32>
      tpu.vector_store %arg15[%swap3A_190, %swap3A_191], %transpose3A_189 {strides = array<i32>} : memref<2048x128xf32, #tpu.memory_space<vmem>>, vector<128x128xf32>,
      %get3A_193 = arith.index_cast %add3A_174 : i32 to index
      %get3A_194 = arith.constant 0 : index
      %get3A_195 = vector.load %arg12[%get3A_193, %get3A_194] : memref<160x128xf32, #tpu.memory_space<vmem>>, vector<1x128xf32>
      %broadcast_in_dim3A_196 = vector.shape_cast %get3A_195 : vector<1x128xf32> to vector<1x128xf32>
      %broadcast_in_dim3A_197 = vector.broadcast %broadcast_in_dim3A_196 : vector<1x128xf32> to vector<128x128xf32>
      %transpose3A_198 = tpu.transpose %broadcast_in_dim3A_197, [1, 0] : vector<128x128xf32> -> vector<128x128xf32>
      %swap3A_199 = arith.constant 128 : index
      %swap3A_200 = arith.constant 0 : index
      %swap3A_201 = vector.load %arg16[%swap3A_199, %swap3A_200] : memref<2048x128xf32, #tpu.memory_space<vmem>>, vector<128x128xf32>
      tpu.vector_store %arg16[%swap3A_199, %swap3A_200], %transpose3A_198 {strides = array<i32>} : memref<2048x128xf32, #tpu.memory_space<vmem>>, vector<128x128xf32>,
      %get3A_202 = arith.index_cast %add3A_174 : i32 to index
      %get3A_203 = arith.constant 0 : index
      %get3A_204 = vector.load %arg13[%get3A_202, %get3A_203] : memref<160x128xf32, #tpu.memory_space<vmem>>, vector<1x128xf32>
      %broadcast_in_dim3A_205 = vector.shape_cast %get3A_204 : vector<1x128xf32> to vector<1x128xf32>
      %broadcast_in_dim3A_206 = vector.broadcast %broadcast_in_dim3A_205 : vector<1x128xf32> to vector<128x128xf32>
      %transpose3A_207 = tpu.transpose %broadcast_in_dim3A_206, [1, 0] : vector<128x128xf32> -> vector<128x128xf32>
      %swap3A_208 = arith.constant 128 : index
      %swap3A_209 = arith.constant 0 : index
      %swap3A_210 = vector.load %arg17[%swap3A_208, %swap3A_209] : memref<2048x128xf32, #tpu.memory_space<vmem>>, vector<128x128xf32>
      tpu.vector_store %arg17[%swap3A_208, %swap3A_209], %transpose3A_207 {strides = array<i32>} : memref<2048x128xf32, #tpu.memory_space<vmem>>, vector<128x128xf32>,
      %add3A_211 = arith.constant 2 : i32
      %add3A_212 = arith.addi %select_n3A, %add3A_211 : i32
      %get3A_213 = arith.index_cast %add3A_212 : i32 to index
      %get3A_214 = arith.constant 0 : index
      %get3A_215 = vector.load %arg10[%get3A_213, %get3A_214] : memref<160x128xf32, #tpu.memory_space<vmem>>, vector<1x128xf32>
      %broadcast_in_dim3A_216 = vector.shape_cast %get3A_215 : vector<1x128xf32> to vector<1x128xf32>
      %broadcast_in_dim3A_217 = vector.broadcast %broadcast_in_dim3A_216 : vector<1x128xf32> to vector<128x128xf32>
      %transpose3A_218 = tpu.transpose %broadcast_in_dim3A_217, [1, 0] : vector<128x128xf32> -> vector<128x128xf32>
      %swap3A_219 = arith.constant 256 : index
      %swap3A_220 = arith.constant 0 : index
      %swap3A_221 = vector.load %arg14[%swap3A_219, %swap3A_220] : memref<2048x128xf32, #tpu.memory_space<vmem>>, vector<128x128xf32>
      tpu.vector_store %arg14[%swap3A_219, %swap3A_220], %transpose3A_218 {strides = array<i32>} : memref<2048x128xf32, #tpu.memory_space<vmem>>, vector<128x128xf32>,
      %get3A_222 = arith.index_cast %add3A_212 : i32 to index
      %get3A_223 = arith.constant 0 : index
      %get3A_224 = vector.load %arg11[%get3A_222, %get3A_223] : memref<160x128xf32, #tpu.memory_space<vmem>>, vector<1x128xf32>
      %broadcast_in_dim3A_225 = vector.shape_cast %get3A_224 : vector<1x128xf32> to vector<1x128xf32>
      %broadcast_in_dim3A_226 = vector.broadcast %broadcast_in_dim3A_225 : vector<1x128xf32> to vector<128x128xf32>
      %transpose3A_227 = tpu.transpose %broadcast_in_dim3A_226, [1, 0] : vector<128x128xf32> -> vector<128x128xf32>
      %swap3A_228 = arith.constant 256 : index
      %swap3A_229 = arith.constant 0 : index
      %swap3A_230 = vector.load %arg15[%swap3A_228, %swap3A_229] : memref<2048x128xf32, #tpu.memory_space<vmem>>, vector<128x128xf32>
      tpu.vector_store %arg15[%swap3A_228, %swap3A_229], %transpose3A_227 {strides = array<i32>} : memref<2048x128xf32, #tpu.memory_space<vmem>>, vector<128x128xf32>,
      %get3A_231 = arith.index_cast %add3A_212 : i32 to index
      %get3A_232 = arith.constant 0 : index
      %get3A_233 = vector.load %arg12[%get3A_231, %get3A_232] : memref<160x128xf32, #tpu.memory_space<vmem>>, vector<1x128xf32>
      %broadcast_in_dim3A_234 = vector.shape_cast %get3A_233 : vector<1x128xf32> to vector<1x128xf32>
      %broadcast_in_dim3A_235 = vector.broadcast %broadcast_in_dim3A_234 : vector<1x128xf32> to vector<128x128xf32>
      %transpose3A_236 = tpu.transpose %broadcast_in_dim3A_235, [1, 0] : vector<128x128xf32> -> vector<128x128xf32>
      %swap3A_237 = arith.constant 256 : index
      %swap3A_238 = arith.constant 0 : index
      %swap3A_239 = vector.load %arg16[%swap3A_237, %swap3A_238] : memref<2048x128xf32, #tpu.memory_space<vmem>>, vector<128x128xf32>
      tpu.vector_store %arg16[%swap3A_237, %swap3A_238], %transpose3A_236 {strides = array<i32>} : memref<2048x128xf32, #tpu.memory_space<vmem>>, vector<128x128xf32>,
      %get3A_240 = arith.index_cast %add3A_212 : i32 to index
      %get3A_241 = arith.constant 0 : index
      %get3A_242 = vector.load %arg13[%get3A_240, %get3A_241] : memref<160x128xf32, #tpu.memory_space<vmem>>, vector<1x128xf32>
      %broadcast_in_dim3A_243 = vector.shape_cast %get3A_242 : vector<1x128xf32> to vector<1x128xf32>
      %broadcast_in_dim3A_244 = vector.broadcast %broadcast_in_dim3A_243 : vector<1x128xf32> to vector<128x128xf32>
      %transpose3A_245 = tpu.transpose %broadcast_in_dim3A_244, [1, 0] : vector<128x128xf32> -> vector<128x128xf32>
      %swap3A_246 = arith.constant 256 : index
      %swap3A_247 = arith.constant 0 : index
      %swap3A_248 = vector.load %arg17[%swap3A_246, %swap3A_247] : memref<2048x128xf32, #tpu.memory_space<vmem>>, vector<128x128xf32>
      tpu.vector_store %arg17[%swap3A_246, %swap3A_247], %transpose3A_245 {strides = array<i32>} : memref<2048x128xf32, #tpu.memory_space<vmem>>, vector<128x128xf32>,
      %add3A_249 = arith.constant 3 : i32
      %add3A_250 = arith.addi %select_n3A, %add3A_249 : i32
      %get3A_251 = arith.index_cast %add3A_250 : i32 to index
      %get3A_252 = arith.constant 0 : index
      %get3A_253 = vector.load %arg10[%get3A_251, %get3A_252] : memref<160x128xf32, #tpu.memory_space<vmem>>, vector<1x128xf32>
      %broadcast_in_dim3A_254 = vector.shape_cast %get3A_253 : vector<1x128xf32> to vector<1x128xf32>
      %broadcast_in_dim3A_255 = vector.broadcast %broadcast_in_dim3A_254 : vector<1x128xf32> to vector<128x128xf32>
      %transpose3A_256 = tpu.transpose %broadcast_in_dim3A_255, [1, 0] : vector<128x128xf32> -> vector<128x128xf32>
      %swap3A_257 = arith.constant 384 : index
      %swap3A_258 = arith.constant 0 : index
      %swap3A_259 = vector.load %arg14[%swap3A_257, %swap3A_258] : memref<2048x128xf32, #tpu.memory_space<vmem>>, vector<128x128xf32>
      tpu.vector_store %arg14[%swap3A_257, %swap3A_258], %transpose3A_256 {strides = array<i32>} : memref<2048x128xf32, #tpu.memory_space<vmem>>, vector<128x128xf32>,
      %get3A_260 = arith.index_cast %add3A_250 : i32 to index
      %get3A_261 = arith.constant 0 : index
      %get3A_262 = vector.load %arg11[%get3A_260, %get3A_261] : memref<160x128xf32, #tpu.memory_space<vmem>>, vector<1x128xf32>
      %broadcast_in_dim3A_263 = vector.shape_cast %get3A_262 : vector<1x128xf32> to vector<1x128xf32>
      %broadcast_in_dim3A_264 = vector.broadcast %broadcast_in_dim3A_263 : vector<1x128xf32> to vector<128x128xf32>
      %transpose3A_265 = tpu.transpose %broadcast_in_dim3A_264, [1, 0] : vector<128x128xf32> -> vector<128x128xf32>
      %swap3A_266 = arith.constant 384 : index
      %swap3A_267 = arith.constant 0 : index
      %swap3A_268 = vector.load %arg15[%swap3A_266, %swap3A_267] : memref<2048x128xf32, #tpu.memory_space<vmem>>, vector<128x128xf32>
      tpu.vector_store %arg15[%swap3A_266, %swap3A_267], %transpose3A_265 {strides = array<i32>} : memref<2048x128xf32, #tpu.memory_space<vmem>>, vector<128x128xf32>,
      %get3A_269 = arith.index_cast %add3A_250 : i32 to index
      %get3A_270 = arith.constant 0 : index
      %get3A_271 = vector.load %arg12[%get3A_269, %get3A_270] : memref<160x128xf32, #tpu.memory_space<vmem>>, vector<1x128xf32>
      %broadcast_in_dim3A_272 = vector.shape_cast %get3A_271 : vector<1x128xf32> to vector<1x128xf32>
      %broadcast_in_dim3A_273 = vector.broadcast %broadcast_in_dim3A_272 : vector<1x128xf32> to vector<128x128xf32>
      %transpose3A_274 = tpu.transpose %broadcast_in_dim3A_273, [1, 0] : vector<128x128xf32> -> vector<128x128xf32>
      %swap3A_275 = arith.constant 384 : index
      %swap3A_276 = arith.constant 0 : index
      %swap3A_277 = vector.load %arg16[%swap3A_275, %swap3A_276] : memref<2048x128xf32, #tpu.memory_space<vmem>>, vector<128x128xf32>
      tpu.vector_store %arg16[%swap3A_275, %swap3A_276], %transpose3A_274 {strides = array<i32>} : memref<2048x128xf32, #tpu.memory_space<vmem>>, vector<128x128xf32>,
      %get3A_278 = arith.index_cast %add3A_250 : i32 to index
      %get3A_279 = arith.constant 0 : index
      %get3A_280 = vector.load %arg13[%get3A_278, %get3A_279] : memref<160x128xf32, #tpu.memory_space<vmem>>, vector<1x128xf32>
      %broadcast_in_dim3A_281 = vector.shape_cast %get3A_280 : vector<1x128xf32> to vector<1x128xf32>
      %broadcast_in_dim3A_282 = vector.broadcast %broadcast_in_dim3A_281 : vector<1x128xf32> to vector<128x128xf32>
      %transpose3A_283 = tpu.transpose %broadcast_in_dim3A_282, [1, 0] : vector<128x128xf32> -> vector<128x128xf32>
      %swap3A_284 = arith.constant 384 : index
      %swap3A_285 = arith.constant 0 : index
      %swap3A_286 = vector.load %arg17[%swap3A_284, %swap3A_285] : memref<2048x128xf32, #tpu.memory_space<vmem>>, vector<128x128xf32>
      tpu.vector_store %arg17[%swap3A_284, %swap3A_285], %transpose3A_283 {strides = array<i32>} : memref<2048x128xf32, #tpu.memory_space<vmem>>, vector<128x128xf32>,
      %add3A_287 = arith.constant 4 : i32
      %add3A_288 = arith.addi %select_n3A, %add3A_287 : i32
      %get3A_289 = arith.index_cast %add3A_288 : i32 to index
      %get3A_290 = arith.constant 0 : index
      %get3A_291 = vector.load %arg10[%get3A_289, %get3A_290] : memref<160x128xf32, #tpu.memory_space<vmem>>, vector<1x128xf32>
      %broadcast_in_dim3A_292 = vector.shape_cast %get3A_291 : vector<1x128xf32> to vector<1x128xf32>
      %broadcast_in_dim3A_293 = vector.broadcast %broadcast_in_dim3A_292 : vector<1x128xf32> to vector<128x128xf32>
      %transpose3A_294 = tpu.transpose %broadcast_in_dim3A_293, [1, 0] : vector<128x128xf32> -> vector<128x128xf32>
      %swap3A_295 = arith.constant 512 : index
      %swap3A_296 = arith.constant 0 : index
      %swap3A_297 = vector.load %arg14[%swap3A_295, %swap3A_296] : memref<2048x128xf32, #tpu.memory_space<vmem>>, vector<128x128xf32>
      tpu.vector_store %arg14[%swap3A_295, %swap3A_296], %transpose3A_294 {strides = array<i32>} : memref<2048x128xf32, #tpu.memory_space<vmem>>, vector<128x128xf32>,
      %get3A_298 = arith.index_cast %add3A_288 : i32 to index
      %get3A_299 = arith.constant 0 : index
      %get3A_300 = vector.load %arg11[%get3A_298, %get3A_299] : memref<160x128xf32, #tpu.memory_space<vmem>>, vector<1x128xf32>
      %broadcast_in_dim3A_301 = vector.shape_cast %get3A_300 : vector<1x128xf32> to vector<1x128xf32>
      %broadcast_in_dim3A_302 = vector.broadcast %broadcast_in_dim3A_301 : vector<1x128xf32> to vector<128x128xf32>
      %transpose3A_303 = tpu.transpose %broadcast_in_dim3A_302, [1, 0] : vector<128x128xf32> -> vector<128x128xf32>
      %swap3A_304 = arith.constant 512 : index
      %swap3A_305 = arith.constant 0 : index
      %swap3A_306 = vector.load %arg15[%swap3A_304, %swap3A_305] : memref<2048x128xf32, #tpu.memory_space<vmem>>, vector<128x128xf32>
      tpu.vector_store %arg15[%swap3A_304, %swap3A_305], %transpose3A_303 {strides = array<i32>} : memref<2048x128xf32, #tpu.memory_space<vmem>>, vector<128x128xf32>,
      %get3A_307 = arith.index_cast %add3A_288 : i32 to index
      %get3A_308 = arith.constant 0 : index
      %get3A_309 = vector.load %arg12[%get3A_307, %get3A_308] : memref<160x128xf32, #tpu.memory_space<vmem>>, vector<1x128xf32>
      %broadcast_in_dim3A_310 = vector.shape_cast %get3A_309 : vector<1x128xf32> to vector<1x128xf32>
      %broadcast_in_dim3A_311 = vector.broadcast %broadcast_in_dim3A_310 : vector<1x128xf32> to vector<128x128xf32>
      %transpose3A_312 = tpu.transpose %broadcast_in_dim3A_311, [1, 0] : vector<128x128xf32> -> vector<128x128xf32>
      %swap3A_313 = arith.constant 512 : index
      %swap3A_314 = arith.constant 0 : index
      %swap3A_315 = vector.load %arg16[%swap3A_313, %swap3A_314] : memref<2048x128xf32, #tpu.memory_space<vmem>>, vector<128x128xf32>
      tpu.vector_store %arg16[%swap3A_313, %swap3A_314], %transpose3A_312 {strides = array<i32>} : memref<2048x128xf32, #tpu.memory_space<vmem>>, vector<128x128xf32>,
      %get3A_316 = arith.index_cast %add3A_288 : i32 to index
      %get3A_317 = arith.constant 0 : index
      %get3A_318 = vector.load %arg13[%get3A_316, %get3A_317] : memref<160x128xf32, #tpu.memory_space<vmem>>, vector<1x128xf32>
      %broadcast_in_dim3A_319 = vector.shape_cast %get3A_318 : vector<1x128xf32> to vector<1x128xf32>
      %broadcast_in_dim3A_320 = vector.broadcast %broadcast_in_dim3A_319 : vector<1x128xf32> to vector<128x128xf32>
      %transpose3A_321 = tpu.transpose %broadcast_in_dim3A_320, [1, 0] : vector<128x128xf32> -> vector<128x128xf32>
      %swap3A_322 = arith.constant 512 : index
      %swap3A_323 = arith.constant 0 : index
      %swap3A_324 = vector.load %arg17[%swap3A_322, %swap3A_323] : memref<2048x128xf32, #tpu.memory_space<vmem>>, vector<128x128xf32>
      tpu.vector_store %arg17[%swap3A_322, %swap3A_323], %transpose3A_321 {strides = array<i32>} : memref<2048x128xf32, #tpu.memory_space<vmem>>, vector<128x128xf32>,
      %add3A_325 = arith.constant 5 : i32
      %add3A_326 = arith.addi %select_n3A, %add3A_325 : i32
      %get3A_327 = arith.index_cast %add3A_326 : i32 to index
      %get3A_328 = arith.constant 0 : index
      %get3A_329 = vector.load %arg10[%get3A_327, %get3A_328] : memref<160x128xf32, #tpu.memory_space<vmem>>, vector<1x128xf32>
      %broadcast_in_dim3A_330 = vector.shape_cast %get3A_329 : vector<1x128xf32> to vector<1x128xf32>
      %broadcast_in_dim3A_331 = vector.broadcast %broadcast_in_dim3A_330 : vector<1x128xf32> to vector<128x128xf32>
      %transpose3A_332 = tpu.transpose %broadcast_in_dim3A_331, [1, 0] : vector<128x128xf32> -> vector<128x128xf32>
      %swap3A_333 = arith.constant 640 : index
      %swap3A_334 = arith.constant 0 : index
      %swap3A_335 = vector.load %arg14[%swap3A_333, %swap3A_334] : memref<2048x128xf32, #tpu.memory_space<vmem>>, vector<128x128xf32>
      tpu.vector_store %arg14[%swap3A_333, %swap3A_334], %transpose3A_332 {strides = array<i32>} : memref<2048x128xf32, #tpu.memory_space<vmem>>, vector<128x128xf32>,
      %get3A_336 = arith.index_cast %add3A_326 : i32 to index
      %get3A_337 = arith.constant 0 : index
      %get3A_338 = vector.load %arg11[%get3A_336, %get3A_337] : memref<160x128xf32, #tpu.memory_space<vmem>>, vector<1x128xf32>
      %broadcast_in_dim3A_339 = vector.shape_cast %get3A_338 : vector<1x128xf32> to vector<1x128xf32>
      %broadcast_in_dim3A_340 = vector.broadcast %broadcast_in_dim3A_339 : vector<1x128xf32> to vector<128x128xf32>
      %transpose3A_341 = tpu.transpose %broadcast_in_dim3A_340, [1, 0] : vector<128x128xf32> -> vector<128x128xf32>
      %swap3A_342 = arith.constant 640 : index
      %swap3A_343 = arith.constant 0 : index
      %swap3A_344 = vector.load %arg15[%swap3A_342, %swap3A_343] : memref<2048x128xf32, #tpu.memory_space<vmem>>, vector<128x128xf32>
      tpu.vector_store %arg15[%swap3A_342, %swap3A_343], %transpose3A_341 {strides = array<i32>} : memref<2048x128xf32, #tpu.memory_space<vmem>>, vector<128x128xf32>,
      %get3A_345 = arith.index_cast %add3A_326 : i32 to index
      %get3A_346 = arith.constant 0 : index
      %get3A_347 = vector.load %arg12[%get3A_345, %get3A_346] : memref<160x128xf32, #tpu.memory_space<vmem>>, vector<1x128xf32>
      %broadcast_in_dim3A_348 = vector.shape_cast %get3A_347 : vector<1x128xf32> to vector<1x128xf32>
      %broadcast_in_dim3A_349 = vector.broadcast %broadcast_in_dim3A_348 : vector<1x128xf32> to vector<128x128xf32>
      %transpose3A_350 = tpu.transpose %broadcast_in_dim3A_349, [1, 0] : vector<128x128xf32> -> vector<128x128xf32>
      %swap3A_351 = arith.constant 640 : index
      %swap3A_352 = arith.constant 0 : index
      %swap3A_353 = vector.load %arg16[%swap3A_351, %swap3A_352] : memref<2048x128xf32, #tpu.memory_space<vmem>>, vector<128x128xf32>
      tpu.vector_store %arg16[%swap3A_351, %swap3A_352], %transpose3A_350 {strides = array<i32>} : memref<2048x128xf32, #tpu.memory_space<vmem>>, vector<128x128xf32>,
      %get3A_354 = arith.index_cast %add3A_326 : i32 to index
      %get3A_355 = arith.constant 0 : index
      %get3A_356 = vector.load %arg13[%get3A_354, %get3A_355] : memref<160x128xf32, #tpu.memory_space<vmem>>, vector<1x128xf32>
      %broadcast_in_dim3A_357 = vector.shape_cast %get3A_356 : vector<1x128xf32> to vector<1x128xf32>
      %broadcast_in_dim3A_358 = vector.broadcast %broadcast_in_dim3A_357 : vector<1x128xf32> to vector<128x128xf32>
      %transpose3A_359 = tpu.transpose %broadcast_in_dim3A_358, [1, 0] : vector<128x128xf32> -> vector<128x128xf32>
      %swap3A_360 = arith.constant 640 : index
      %swap3A_361 = arith.constant 0 : index
      %swap3A_362 = vector.load %arg17[%swap3A_360, %swap3A_361] : memref<2048x128xf32, #tpu.memory_space<vmem>>, vector<128x128xf32>
      tpu.vector_store %arg17[%swap3A_360, %swap3A_361], %transpose3A_359 {strides = array<i32>} : memref<2048x128xf32, #tpu.memory_space<vmem>>, vector<128x128xf32>,
      %add3A_363 = arith.constant 6 : i32
      %add3A_364 = arith.addi %select_n3A, %add3A_363 : i32
      %get3A_365 = arith.index_cast %add3A_364 : i32 to index
      %get3A_366 = arith.constant 0 : index
      %get3A_367 = vector.load %arg10[%get3A_365, %get3A_366] : memref<160x128xf32, #tpu.memory_space<vmem>>, vector<1x128xf32>
      %broadcast_in_dim3A_368 = vector.shape_cast %get3A_367 : vector<1x128xf32> to vector<1x128xf32>
      %broadcast_in_dim3A_369 = vector.broadcast %broadcast_in_dim3A_368 : vector<1x128xf32> to vector<128x128xf32>
      %transpose3A_370 = tpu.transpose %broadcast_in_dim3A_369, [1, 0] : vector<128x128xf32> -> vector<128x128xf32>
      %swap3A_371 = arith.constant 768 : index
      %swap3A_372 = arith.constant 0 : index
      %swap3A_373 = vector.load %arg14[%swap3A_371, %swap3A_372] : memref<2048x128xf32, #tpu.memory_space<vmem>>, vector<128x128xf32>
      tpu.vector_store %arg14[%swap3A_371, %swap3A_372], %transpose3A_370 {strides = array<i32>} : memref<2048x128xf32, #tpu.memory_space<vmem>>, vector<128x128xf32>,
      %get3A_374 = arith.index_cast %add3A_364 : i32 to index
      %get3A_375 = arith.constant 0 : index
      %get3A_376 = vector.load %arg11[%get3A_374, %get3A_375] : memref<160x128xf32, #tpu.memory_space<vmem>>, vector<1x128xf32>
      %broadcast_in_dim3A_377 = vector.shape_cast %get3A_376 : vector<1x128xf32> to vector<1x128xf32>
      %broadcast_in_dim3A_378 = vector.broadcast %broadcast_in_dim3A_377 : vector<1x128xf32> to vector<128x128xf32>
      %transpose3A_379 = tpu.transpose %broadcast_in_dim3A_378, [1, 0] : vector<128x128xf32> -> vector<128x128xf32>
      %swap3A_380 = arith.constant 768 : index
      %swap3A_381 = arith.constant 0 : index
      %swap3A_382 = vector.load %arg15[%swap3A_380, %swap3A_381] : memref<2048x128xf32, #tpu.memory_space<vmem>>, vector<128x128xf32>
      tpu.vector_store %arg15[%swap3A_380, %swap3A_381], %transpose3A_379 {strides = array<i32>} : memref<2048x128xf32, #tpu.memory_space<vmem>>, vector<128x128xf32>,
      %get3A_383 = arith.index_cast %add3A_364 : i32 to index
      %get3A_384 = arith.constant 0 : index
      %get3A_385 = vector.load %arg12[%get3A_383, %get3A_384] : memref<160x128xf32, #tpu.memory_space<vmem>>, vector<1x128xf32>
      %broadcast_in_dim3A_386 = vector.shape_cast %get3A_385 : vector<1x128xf32> to vector<1x128xf32>
      %broadcast_in_dim3A_387 = vector.broadcast %broadcast_in_dim3A_386 : vector<1x128xf32> to vector<128x128xf32>
      %transpose3A_388 = tpu.transpose %broadcast_in_dim3A_387, [1, 0] : vector<128x128xf32> -> vector<128x128xf32>
      %swap3A_389 = arith.constant 768 : index
      %swap3A_390 = arith.constant 0 : index
      %swap3A_391 = vector.load %arg16[%swap3A_389, %swap3A_390] : memref<2048x128xf32, #tpu.memory_space<vmem>>, vector<128x128xf32>
      tpu.vector_store %arg16[%swap3A_389, %swap3A_390], %transpose3A_388 {strides = array<i32>} : memref<2048x128xf32, #tpu.memory_space<vmem>>, vector<128x128xf32>,
      %get3A_392 = arith.index_cast %add3A_364 : i32 to index
      %get3A_393 = arith.constant 0 : index
      %get3A_394 = vector.load %arg13[%get3A_392, %get3A_393] : memref<160x128xf32, #tpu.memory_space<vmem>>, vector<1x128xf32>
      %broadcast_in_dim3A_395 = vector.shape_cast %get3A_394 : vector<1x128xf32> to vector<1x128xf32>
      %broadcast_in_dim3A_396 = vector.broadcast %broadcast_in_dim3A_395 : vector<1x128xf32> to vector<128x128xf32>
      %transpose3A_397 = tpu.transpose %broadcast_in_dim3A_396, [1, 0] : vector<128x128xf32> -> vector<128x128xf32>
      %swap3A_398 = arith.constant 768 : index
      %swap3A_399 = arith.constant 0 : index
      %swap3A_400 = vector.load %arg17[%swap3A_398, %swap3A_399] : memref<2048x128xf32, #tpu.memory_space<vmem>>, vector<128x128xf32>
      tpu.vector_store %arg17[%swap3A_398, %swap3A_399], %transpose3A_397 {strides = array<i32>} : memref<2048x128xf32, #tpu.memory_space<vmem>>, vector<128x128xf32>,
      %add3A_401 = arith.constant 7 : i32
      %add3A_402 = arith.addi %select_n3A, %add3A_401 : i32
      %get3A_403 = arith.index_cast %add3A_402 : i32 to index
      %get3A_404 = arith.constant 0 : index
      %get3A_405 = vector.load %arg10[%get3A_403, %get3A_404] : memref<160x128xf32, #tpu.memory_space<vmem>>, vector<1x128xf32>
      %broadcast_in_dim3A_406 = vector.shape_cast %get3A_405 : vector<1x128xf32> to vector<1x128xf32>
      %broadcast_in_dim3A_407 = vector.broadcast %broadcast_in_dim3A_406 : vector<1x128xf32> to vector<128x128xf32>
      %transpose3A_408 = tpu.transpose %broadcast_in_dim3A_407, [1, 0] : vector<128x128xf32> -> vector<128x128xf32>
      %swap3A_409 = arith.constant 896 : index
      %swap3A_410 = arith.constant 0 : index
      %swap3A_411 = vector.load %arg14[%swap3A_409, %swap3A_410] : memref<2048x128xf32, #tpu.memory_space<vmem>>, vector<128x128xf32>
      tpu.vector_store %arg14[%swap3A_409, %swap3A_410], %transpose3A_408 {strides = array<i32>} : memref<2048x128xf32, #tpu.memory_space<vmem>>, vector<128x128xf32>,
      %get3A_412 = arith.index_cast %add3A_402 : i32 to index
      %get3A_413 = arith.constant 0 : index
      %get3A_414 = vector.load %arg11[%get3A_412, %get3A_413] : memref<160x128xf32, #tpu.memory_space<vmem>>, vector<1x128xf32>
      %broadcast_in_dim3A_415 = vector.shape_cast %get3A_414 : vector<1x128xf32> to vector<1x128xf32>
      %broadcast_in_dim3A_416 = vector.broadcast %broadcast_in_dim3A_415 : vector<1x128xf32> to vector<128x128xf32>
      %transpose3A_417 = tpu.transpose %broadcast_in_dim3A_416, [1, 0] : vector<128x128xf32> -> vector<128x128xf32>
      %swap3A_418 = arith.constant 896 : index
      %swap3A_419 = arith.constant 0 : index
      %swap3A_420 = vector.load %arg15[%swap3A_418, %swap3A_419] : memref<2048x128xf32, #tpu.memory_space<vmem>>, vector<128x128xf32>
      tpu.vector_store %arg15[%swap3A_418, %swap3A_419], %transpose3A_417 {strides = array<i32>} : memref<2048x128xf32, #tpu.memory_space<vmem>>, vector<128x128xf32>,
      %get3A_421 = arith.index_cast %add3A_402 : i32 to index
      %get3A_422 = arith.constant 0 : index
      %get3A_423 = vector.load %arg12[%get3A_421, %get3A_422] : memref<160x128xf32, #tpu.memory_space<vmem>>, vector<1x128xf32>
      %broadcast_in_dim3A_424 = vector.shape_cast %get3A_423 : vector<1x128xf32> to vector<1x128xf32>
      %broadcast_in_dim3A_425 = vector.broadcast %broadcast_in_dim3A_424 : vector<1x128xf32> to vector<128x128xf32>
      %transpose3A_426 = tpu.transpose %broadcast_in_dim3A_425, [1, 0] : vector<128x128xf32> -> vector<128x128xf32>
      %swap3A_427 = arith.constant 896 : index
      %swap3A_428 = arith.constant 0 : index
      %swap3A_429 = vector.load %arg16[%swap3A_427, %swap3A_428] : memref<2048x128xf32, #tpu.memory_space<vmem>>, vector<128x128xf32>
      tpu.vector_store %arg16[%swap3A_427, %swap3A_428], %transpose3A_426 {strides = array<i32>} : memref<2048x128xf32, #tpu.memory_space<vmem>>, vector<128x128xf32>,
      %get3A_430 = arith.index_cast %add3A_402 : i32 to index
      %get3A_431 = arith.constant 0 : index
      %get3A_432 = vector.load %arg13[%get3A_430, %get3A_431] : memref<160x128xf32, #tpu.memory_space<vmem>>, vector<1x128xf32>
      %broadcast_in_dim3A_433 = vector.shape_cast %get3A_432 : vector<1x128xf32> to vector<1x128xf32>
      %broadcast_in_dim3A_434 = vector.broadcast %broadcast_in_dim3A_433 : vector<1x128xf32> to vector<128x128xf32>
      %transpose3A_435 = tpu.transpose %broadcast_in_dim3A_434, [1, 0] : vector<128x128xf32> -> vector<128x128xf32>
      %swap3A_436 = arith.constant 896 : index
      %swap3A_437 = arith.constant 0 : index
      %swap3A_438 = vector.load %arg17[%swap3A_436, %swap3A_437] : memref<2048x128xf32, #tpu.memory_space<vmem>>, vector<128x128xf32>
      tpu.vector_store %arg17[%swap3A_436, %swap3A_437], %transpose3A_435 {strides = array<i32>} : memref<2048x128xf32, #tpu.memory_space<vmem>>, vector<128x128xf32>,
      %add3A_439 = arith.constant 8 : i32
      %add3A_440 = arith.addi %select_n3A, %add3A_439 : i32
      %get3A_441 = arith.index_cast %add3A_440 : i32 to index
      %get3A_442 = arith.constant 0 : index
      %get3A_443 = vector.load %arg10[%get3A_441, %get3A_442] : memref<160x128xf32, #tpu.memory_space<vmem>>, vector<1x128xf32>
      %broadcast_in_dim3A_444 = vector.shape_cast %get3A_443 : vector<1x128xf32> to vector<1x128xf32>
      %broadcast_in_dim3A_445 = vector.broadcast %broadcast_in_dim3A_444 : vector<1x128xf32> to vector<128x128xf32>
      %transpose3A_446 = tpu.transpose %broadcast_in_dim3A_445, [1, 0] : vector<128x128xf32> -> vector<128x128xf32>
      %swap3A_447 = arith.constant 1024 : index
      %swap3A_448 = arith.constant 0 : index
      %swap3A_449 = vector.load %arg14[%swap3A_447, %swap3A_448] : memref<2048x128xf32, #tpu.memory_space<vmem>>, vector<128x128xf32>
      tpu.vector_store %arg14[%swap3A_447, %swap3A_448], %transpose3A_446 {strides = array<i32>} : memref<2048x128xf32, #tpu.memory_space<vmem>>, vector<128x128xf32>,
      %get3A_450 = arith.index_cast %add3A_440 : i32 to index
      %get3A_451 = arith.constant 0 : index
      %get3A_452 = vector.load %arg11[%get3A_450, %get3A_451] : memref<160x128xf32, #tpu.memory_space<vmem>>, vector<1x128xf32>
      %broadcast_in_dim3A_453 = vector.shape_cast %get3A_452 : vector<1x128xf32> to vector<1x128xf32>
      %broadcast_in_dim3A_454 = vector.broadcast %broadcast_in_dim3A_453 : vector<1x128xf32> to vector<128x128xf32>
      %transpose3A_455 = tpu.transpose %broadcast_in_dim3A_454, [1, 0] : vector<128x128xf32> -> vector<128x128xf32>
      %swap3A_456 = arith.constant 1024 : index
      %swap3A_457 = arith.constant 0 : index
      %swap3A_458 = vector.load %arg15[%swap3A_456, %swap3A_457] : memref<2048x128xf32, #tpu.memory_space<vmem>>, vector<128x128xf32>
      tpu.vector_store %arg15[%swap3A_456, %swap3A_457], %transpose3A_455 {strides = array<i32>} : memref<2048x128xf32, #tpu.memory_space<vmem>>, vector<128x128xf32>,
      %get3A_459 = arith.index_cast %add3A_440 : i32 to index
      %get3A_460 = arith.constant 0 : index
      %get3A_461 = vector.load %arg12[%get3A_459, %get3A_460] : memref<160x128xf32, #tpu.memory_space<vmem>>, vector<1x128xf32>
      %broadcast_in_dim3A_462 = vector.shape_cast %get3A_461 : vector<1x128xf32> to vector<1x128xf32>
      %broadcast_in_dim3A_463 = vector.broadcast %broadcast_in_dim3A_462 : vector<1x128xf32> to vector<128x128xf32>
      %transpose3A_464 = tpu.transpose %broadcast_in_dim3A_463, [1, 0] : vector<128x128xf32> -> vector<128x128xf32>
      %swap3A_465 = arith.constant 1024 : index
      %swap3A_466 = arith.constant 0 : index
      %swap3A_467 = vector.load %arg16[%swap3A_465, %swap3A_466] : memref<2048x128xf32, #tpu.memory_space<vmem>>, vector<128x128xf32>
      tpu.vector_store %arg16[%swap3A_465, %swap3A_466], %transpose3A_464 {strides = array<i32>} : memref<2048x128xf32, #tpu.memory_space<vmem>>, vector<128x128xf32>,
      %get3A_468 = arith.index_cast %add3A_440 : i32 to index
      %get3A_469 = arith.constant 0 : index
      %get3A_470 = vector.load %arg13[%get3A_468, %get3A_469] : memref<160x128xf32, #tpu.memory_space<vmem>>, vector<1x128xf32>
      %broadcast_in_dim3A_471 = vector.shape_cast %get3A_470 : vector<1x128xf32> to vector<1x128xf32>
      %broadcast_in_dim3A_472 = vector.broadcast %broadcast_in_dim3A_471 : vector<1x128xf32> to vector<128x128xf32>
      %transpose3A_473 = tpu.transpose %broadcast_in_dim3A_472, [1, 0] : vector<128x128xf32> -> vector<128x128xf32>
      %swap3A_474 = arith.constant 1024 : index
      %swap3A_475 = arith.constant 0 : index
      %swap3A_476 = vector.load %arg17[%swap3A_474, %swap3A_475] : memref<2048x128xf32, #tpu.memory_space<vmem>>, vector<128x128xf32>
      tpu.vector_store %arg17[%swap3A_474, %swap3A_475], %transpose3A_473 {strides = array<i32>} : memref<2048x128xf32, #tpu.memory_space<vmem>>, vector<128x128xf32>,
      %add3A_477 = arith.constant 9 : i32
      %add3A_478 = arith.addi %select_n3A, %add3A_477 : i32
      %get3A_479 = arith.index_cast %add3A_478 : i32 to index
      %get3A_480 = arith.constant 0 : index
      %get3A_481 = vector.load %arg10[%get3A_479, %get3A_480] : memref<160x128xf32, #tpu.memory_space<vmem>>, vector<1x128xf32>
      %broadcast_in_dim3A_482 = vector.shape_cast %get3A_481 : vector<1x128xf32> to vector<1x128xf32>
      %broadcast_in_dim3A_483 = vector.broadcast %broadcast_in_dim3A_482 : vector<1x128xf32> to vector<128x128xf32>
      %transpose3A_484 = tpu.transpose %broadcast_in_dim3A_483, [1, 0] : vector<128x128xf32> -> vector<128x128xf32>
      %swap3A_485 = arith.constant 1152 : index
      %swap3A_486 = arith.constant 0 : index
      %swap3A_487 = vector.load %arg14[%swap3A_485, %swap3A_486] : memref<2048x128xf32, #tpu.memory_space<vmem>>, vector<128x128xf32>
      tpu.vector_store %arg14[%swap3A_485, %swap3A_486], %transpose3A_484 {strides = array<i32>} : memref<2048x128xf32, #tpu.memory_space<vmem>>, vector<128x128xf32>,
      %get3A_488 = arith.index_cast %add3A_478 : i32 to index
      %get3A_489 = arith.constant 0 : index
      %get3A_490 = vector.load %arg11[%get3A_488, %get3A_489] : memref<160x128xf32, #tpu.memory_space<vmem>>, vector<1x128xf32>
      %broadcast_in_dim3A_491 = vector.shape_cast %get3A_490 : vector<1x128xf32> to vector<1x128xf32>
      %broadcast_in_dim3A_492 = vector.broadcast %broadcast_in_dim3A_491 : vector<1x128xf32> to vector<128x128xf32>
      %transpose3A_493 = tpu.transpose %broadcast_in_dim3A_492, [1, 0] : vector<128x128xf32> -> vector<128x128xf32>
      %swap3A_494 = arith.constant 1152 : index
      %swap3A_495 = arith.constant 0 : index
      %swap3A_496 = vector.load %arg15[%swap3A_494, %swap3A_495] : memref<2048x128xf32, #tpu.memory_space<vmem>>, vector<128x128xf32>
      tpu.vector_store %arg15[%swap3A_494, %swap3A_495], %transpose3A_493 {strides = array<i32>} : memref<2048x128xf32, #tpu.memory_space<vmem>>, vector<128x128xf32>,
      %get3A_497 = arith.index_cast %add3A_478 : i32 to index
      %get3A_498 = arith.constant 0 : index
      %get3A_499 = vector.load %arg12[%get3A_497, %get3A_498] : memref<160x128xf32, #tpu.memory_space<vmem>>, vector<1x128xf32>
      %broadcast_in_dim3A_500 = vector.shape_cast %get3A_499 : vector<1x128xf32> to vector<1x128xf32>
      %broadcast_in_dim3A_501 = vector.broadcast %broadcast_in_dim3A_500 : vector<1x128xf32> to vector<128x128xf32>
      %transpose3A_502 = tpu.transpose %broadcast_in_dim3A_501, [1, 0] : vector<128x128xf32> -> vector<128x128xf32>
      %swap3A_503 = arith.constant 1152 : index
      %swap3A_504 = arith.constant 0 : index
      %swap3A_505 = vector.load %arg16[%swap3A_503, %swap3A_504] : memref<2048x128xf32, #tpu.memory_space<vmem>>, vector<128x128xf32>
      tpu.vector_store %arg16[%swap3A_503, %swap3A_504], %transpose3A_502 {strides = array<i32>} : memref<2048x128xf32, #tpu.memory_space<vmem>>, vector<128x128xf32>,
      %get3A_506 = arith.index_cast %add3A_478 : i32 to index
      %get3A_507 = arith.constant 0 : index
      %get3A_508 = vector.load %arg13[%get3A_506, %get3A_507] : memref<160x128xf32, #tpu.memory_space<vmem>>, vector<1x128xf32>
      %broadcast_in_dim3A_509 = vector.shape_cast %get3A_508 : vector<1x128xf32> to vector<1x128xf32>
      %broadcast_in_dim3A_510 = vector.broadcast %broadcast_in_dim3A_509 : vector<1x128xf32> to vector<128x128xf32>
      %transpose3A_511 = tpu.transpose %broadcast_in_dim3A_510, [1, 0] : vector<128x128xf32> -> vector<128x128xf32>
      %swap3A_512 = arith.constant 1152 : index
      %swap3A_513 = arith.constant 0 : index
      %swap3A_514 = vector.load %arg17[%swap3A_512, %swap3A_513] : memref<2048x128xf32, #tpu.memory_space<vmem>>, vector<128x128xf32>
      tpu.vector_store %arg17[%swap3A_512, %swap3A_513], %transpose3A_511 {strides = array<i32>} : memref<2048x128xf32, #tpu.memory_space<vmem>>, vector<128x128xf32>,
      %add3A_515 = arith.constant 10 : i32
      %add3A_516 = arith.addi %select_n3A, %add3A_515 : i32
      %get3A_517 = arith.index_cast %add3A_516 : i32 to index
      %get3A_518 = arith.constant 0 : index
      %get3A_519 = vector.load %arg10[%get3A_517, %get3A_518] : memref<160x128xf32, #tpu.memory_space<vmem>>, vector<1x128xf32>
      %broadcast_in_dim3A_520 = vector.shape_cast %get3A_519 : vector<1x128xf32> to vector<1x128xf32>
      %broadcast_in_dim3A_521 = vector.broadcast %broadcast_in_dim3A_520 : vector<1x128xf32> to vector<128x128xf32>
      %transpose3A_522 = tpu.transpose %broadcast_in_dim3A_521, [1, 0] : vector<128x128xf32> -> vector<128x128xf32>
      %swap3A_523 = arith.constant 1280 : index
      %swap3A_524 = arith.constant 0 : index
      %swap3A_525 = vector.load %arg14[%swap3A_523, %swap3A_524] : memref<2048x128xf32, #tpu.memory_space<vmem>>, vector<128x128xf32>
      tpu.vector_store %arg14[%swap3A_523, %swap3A_524], %transpose3A_522 {strides = array<i32>} : memref<2048x128xf32, #tpu.memory_space<vmem>>, vector<128x128xf32>,
      %get3A_526 = arith.index_cast %add3A_516 : i32 to index
      %get3A_527 = arith.constant 0 : index
      %get3A_528 = vector.load %arg11[%get3A_526, %get3A_527] : memref<160x128xf32, #tpu.memory_space<vmem>>, vector<1x128xf32>
      %broadcast_in_dim3A_529 = vector.shape_cast %get3A_528 : vector<1x128xf32> to vector<1x128xf32>
      %broadcast_in_dim3A_530 = vector.broadcast %broadcast_in_dim3A_529 : vector<1x128xf32> to vector<128x128xf32>
      %transpose3A_531 = tpu.transpose %broadcast_in_dim3A_530, [1, 0] : vector<128x128xf32> -> vector<128x128xf32>
      %swap3A_532 = arith.constant 1280 : index
      %swap3A_533 = arith.constant 0 : index
      %swap3A_534 = vector.load %arg15[%swap3A_532, %swap3A_533] : memref<2048x128xf32, #tpu.memory_space<vmem>>, vector<128x128xf32>
      tpu.vector_store %arg15[%swap3A_532, %swap3A_533], %transpose3A_531 {strides = array<i32>} : memref<2048x128xf32, #tpu.memory_space<vmem>>, vector<128x128xf32>,
      %get3A_535 = arith.index_cast %add3A_516 : i32 to index
      %get3A_536 = arith.constant 0 : index
      %get3A_537 = vector.load %arg12[%get3A_535, %get3A_536] : memref<160x128xf32, #tpu.memory_space<vmem>>, vector<1x128xf32>
      %broadcast_in_dim3A_538 = vector.shape_cast %get3A_537 : vector<1x128xf32> to vector<1x128xf32>
      %broadcast_in_dim3A_539 = vector.broadcast %broadcast_in_dim3A_538 : vector<1x128xf32> to vector<128x128xf32>
      %transpose3A_540 = tpu.transpose %broadcast_in_dim3A_539, [1, 0] : vector<128x128xf32> -> vector<128x128xf32>
      %swap3A_541 = arith.constant 1280 : index
      %swap3A_542 = arith.constant 0 : index
      %swap3A_543 = vector.load %arg16[%swap3A_541, %swap3A_542] : memref<2048x128xf32, #tpu.memory_space<vmem>>, vector<128x128xf32>
      tpu.vector_store %arg16[%swap3A_541, %swap3A_542], %transpose3A_540 {strides = array<i32>} : memref<2048x128xf32, #tpu.memory_space<vmem>>, vector<128x128xf32>,
      %get3A_544 = arith.index_cast %add3A_516 : i32 to index
      %get3A_545 = arith.constant 0 : index
      %get3A_546 = vector.load %arg13[%get3A_544, %get3A_545] : memref<160x128xf32, #tpu.memory_space<vmem>>, vector<1x128xf32>
      %broadcast_in_dim3A_547 = vector.shape_cast %get3A_546 : vector<1x128xf32> to vector<1x128xf32>
      %broadcast_in_dim3A_548 = vector.broadcast %broadcast_in_dim3A_547 : vector<1x128xf32> to vector<128x128xf32>
      %transpose3A_549 = tpu.transpose %broadcast_in_dim3A_548, [1, 0] : vector<128x128xf32> -> vector<128x128xf32>
      %swap3A_550 = arith.constant 1280 : index
      %swap3A_551 = arith.constant 0 : index
      %swap3A_552 = vector.load %arg17[%swap3A_550, %swap3A_551] : memref<2048x128xf32, #tpu.memory_space<vmem>>, vector<128x128xf32>
      tpu.vector_store %arg17[%swap3A_550, %swap3A_551], %transpose3A_549 {strides = array<i32>} : memref<2048x128xf32, #tpu.memory_space<vmem>>, vector<128x128xf32>,
      %add3A_553 = arith.constant 11 : i32
      %add3A_554 = arith.addi %select_n3A, %add3A_553 : i32
      %get3A_555 = arith.index_cast %add3A_554 : i32 to index
      %get3A_556 = arith.constant 0 : index
      %get3A_557 = vector.load %arg10[%get3A_555, %get3A_556] : memref<160x128xf32, #tpu.memory_space<vmem>>, vector<1x128xf32>
      %broadcast_in_dim3A_558 = vector.shape_cast %get3A_557 : vector<1x128xf32> to vector<1x128xf32>
      %broadcast_in_dim3A_559 = vector.broadcast %broadcast_in_dim3A_558 : vector<1x128xf32> to vector<128x128xf32>
      %transpose3A_560 = tpu.transpose %broadcast_in_dim3A_559, [1, 0] : vector<128x128xf32> -> vector<128x128xf32>
      %swap3A_561 = arith.constant 1408 : index
      %swap3A_562 = arith.constant 0 : index
      %swap3A_563 = vector.load %arg14[%swap3A_561, %swap3A_562] : memref<2048x128xf32, #tpu.memory_space<vmem>>, vector<128x128xf32>
      tpu.vector_store %arg14[%swap3A_561, %swap3A_562], %transpose3A_560 {strides = array<i32>} : memref<2048x128xf32, #tpu.memory_space<vmem>>, vector<128x128xf32>,
      %get3A_564 = arith.index_cast %add3A_554 : i32 to index
      %get3A_565 = arith.constant 0 : index
      %get3A_566 = vector.load %arg11[%get3A_564, %get3A_565] : memref<160x128xf32, #tpu.memory_space<vmem>>, vector<1x128xf32>
      %broadcast_in_dim3A_567 = vector.shape_cast %get3A_566 : vector<1x128xf32> to vector<1x128xf32>
      %broadcast_in_dim3A_568 = vector.broadcast %broadcast_in_dim3A_567 : vector<1x128xf32> to vector<128x128xf32>
      %transpose3A_569 = tpu.transpose %broadcast_in_dim3A_568, [1, 0] : vector<128x128xf32> -> vector<128x128xf32>
      %swap3A_570 = arith.constant 1408 : index
      %swap3A_571 = arith.constant 0 : index
      %swap3A_572 = vector.load %arg15[%swap3A_570, %swap3A_571] : memref<2048x128xf32, #tpu.memory_space<vmem>>, vector<128x128xf32>
      tpu.vector_store %arg15[%swap3A_570, %swap3A_571], %transpose3A_569 {strides = array<i32>} : memref<2048x128xf32, #tpu.memory_space<vmem>>, vector<128x128xf32>,
      %get3A_573 = arith.index_cast %add3A_554 : i32 to index
      %get3A_574 = arith.constant 0 : index
      %get3A_575 = vector.load %arg12[%get3A_573, %get3A_574] : memref<160x128xf32, #tpu.memory_space<vmem>>, vector<1x128xf32>
      %broadcast_in_dim3A_576 = vector.shape_cast %get3A_575 : vector<1x128xf32> to vector<1x128xf32>
      %broadcast_in_dim3A_577 = vector.broadcast %broadcast_in_dim3A_576 : vector<1x128xf32> to vector<128x128xf32>
      %transpose3A_578 = tpu.transpose %broadcast_in_dim3A_577, [1, 0] : vector<128x128xf32> -> vector<128x128xf32>
      %swap3A_579 = arith.constant 1408 : index
      %swap3A_580 = arith.constant 0 : index
      %swap3A_581 = vector.load %arg16[%swap3A_579, %swap3A_580] : memref<2048x128xf32, #tpu.memory_space<vmem>>, vector<128x128xf32>
      tpu.vector_store %arg16[%swap3A_579, %swap3A_580], %transpose3A_578 {strides = array<i32>} : memref<2048x128xf32, #tpu.memory_space<vmem>>, vector<128x128xf32>,
      %get3A_582 = arith.index_cast %add3A_554 : i32 to index
      %get3A_583 = arith.constant 0 : index
      %get3A_584 = vector.load %arg13[%get3A_582, %get3A_583] : memref<160x128xf32, #tpu.memory_space<vmem>>, vector<1x128xf32>
      %broadcast_in_dim3A_585 = vector.shape_cast %get3A_584 : vector<1x128xf32> to vector<1x128xf32>
      %broadcast_in_dim3A_586 = vector.broadcast %broadcast_in_dim3A_585 : vector<1x128xf32> to vector<128x128xf32>
      %transpose3A_587 = tpu.transpose %broadcast_in_dim3A_586, [1, 0] : vector<128x128xf32> -> vector<128x128xf32>
      %swap3A_588 = arith.constant 1408 : index
      %swap3A_589 = arith.constant 0 : index
      %swap3A_590 = vector.load %arg17[%swap3A_588, %swap3A_589] : memref<2048x128xf32, #tpu.memory_space<vmem>>, vector<128x128xf32>
      tpu.vector_store %arg17[%swap3A_588, %swap3A_589], %transpose3A_587 {strides = array<i32>} : memref<2048x128xf32, #tpu.memory_space<vmem>>, vector<128x128xf32>,
      %add3A_591 = arith.constant 12 : i32
      %add3A_592 = arith.addi %select_n3A, %add3A_591 : i32
      %get3A_593 = arith.index_cast %add3A_592 : i32 to index
      %get3A_594 = arith.constant 0 : index
      %get3A_595 = vector.load %arg10[%get3A_593, %get3A_594] : memref<160x128xf32, #tpu.memory_space<vmem>>, vector<1x128xf32>
      %broadcast_in_dim3A_596 = vector.shape_cast %get3A_595 : vector<1x128xf32> to vector<1x128xf32>
      %broadcast_in_dim3A_597 = vector.broadcast %broadcast_in_dim3A_596 : vector<1x128xf32> to vector<128x128xf32>
      %transpose3A_598 = tpu.transpose %broadcast_in_dim3A_597, [1, 0] : vector<128x128xf32> -> vector<128x128xf32>
      %swap3A_599 = arith.constant 1536 : index
      %swap3A_600 = arith.constant 0 : index
      %swap3A_601 = vector.load %arg14[%swap3A_599, %swap3A_600] : memref<2048x128xf32, #tpu.memory_space<vmem>>, vector<128x128xf32>
      tpu.vector_store %arg14[%swap3A_599, %swap3A_600], %transpose3A_598 {strides = array<i32>} : memref<2048x128xf32, #tpu.memory_space<vmem>>, vector<128x128xf32>,
      %get3A_602 = arith.index_cast %add3A_592 : i32 to index
      %get3A_603 = arith.constant 0 : index
      %get3A_604 = vector.load %arg11[%get3A_602, %get3A_603] : memref<160x128xf32, #tpu.memory_space<vmem>>, vector<1x128xf32>
      %broadcast_in_dim3A_605 = vector.shape_cast %get3A_604 : vector<1x128xf32> to vector<1x128xf32>
      %broadcast_in_dim3A_606 = vector.broadcast %broadcast_in_dim3A_605 : vector<1x128xf32> to vector<128x128xf32>
      %transpose3A_607 = tpu.transpose %broadcast_in_dim3A_606, [1, 0] : vector<128x128xf32> -> vector<128x128xf32>
      %swap3A_608 = arith.constant 1536 : index
      %swap3A_609 = arith.constant 0 : index
      %swap3A_610 = vector.load %arg15[%swap3A_608, %swap3A_609] : memref<2048x128xf32, #tpu.memory_space<vmem>>, vector<128x128xf32>
      tpu.vector_store %arg15[%swap3A_608, %swap3A_609], %transpose3A_607 {strides = array<i32>} : memref<2048x128xf32, #tpu.memory_space<vmem>>, vector<128x128xf32>,
      %get3A_611 = arith.index_cast %add3A_592 : i32 to index
      %get3A_612 = arith.constant 0 : index
      %get3A_613 = vector.load %arg12[%get3A_611, %get3A_612] : memref<160x128xf32, #tpu.memory_space<vmem>>, vector<1x128xf32>
      %broadcast_in_dim3A_614 = vector.shape_cast %get3A_613 : vector<1x128xf32> to vector<1x128xf32>
      %broadcast_in_dim3A_615 = vector.broadcast %broadcast_in_dim3A_614 : vector<1x128xf32> to vector<128x128xf32>
      %transpose3A_616 = tpu.transpose %broadcast_in_dim3A_615, [1, 0] : vector<128x128xf32> -> vector<128x128xf32>
      %swap3A_617 = arith.constant 1536 : index
      %swap3A_618 = arith.constant 0 : index
      %swap3A_619 = vector.load %arg16[%swap3A_617, %swap3A_618] : memref<2048x128xf32, #tpu.memory_space<vmem>>, vector<128x128xf32>
      tpu.vector_store %arg16[%swap3A_617, %swap3A_618], %transpose3A_616 {strides = array<i32>} : memref<2048x128xf32, #tpu.memory_space<vmem>>, vector<128x128xf32>,
      %get3A_620 = arith.index_cast %add3A_592 : i32 to index
      %get3A_621 = arith.constant 0 : index
      %get3A_622 = vector.load %arg13[%get3A_620, %get3A_621] : memref<160x128xf32, #tpu.memory_space<vmem>>, vector<1x128xf32>
      %broadcast_in_dim3A_623 = vector.shape_cast %get3A_622 : vector<1x128xf32> to vector<1x128xf32>
      %broadcast_in_dim3A_624 = vector.broadcast %broadcast_in_dim3A_623 : vector<1x128xf32> to vector<128x128xf32>
      %transpose3A_625 = tpu.transpose %broadcast_in_dim3A_624, [1, 0] : vector<128x128xf32> -> vector<128x128xf32>
      %swap3A_626 = arith.constant 1536 : index
      %swap3A_627 = arith.constant 0 : index
      %swap3A_628 = vector.load %arg17[%swap3A_626, %swap3A_627] : memref<2048x128xf32, #tpu.memory_space<vmem>>, vector<128x128xf32>
      tpu.vector_store %arg17[%swap3A_626, %swap3A_627], %transpose3A_625 {strides = array<i32>} : memref<2048x128xf32, #tpu.memory_space<vmem>>, vector<128x128xf32>,
      %add3A_629 = arith.constant 13 : i32
      %add3A_630 = arith.addi %select_n3A, %add3A_629 : i32
      %get3A_631 = arith.index_cast %add3A_630 : i32 to index
      %get3A_632 = arith.constant 0 : index
      %get3A_633 = vector.load %arg10[%get3A_631, %get3A_632] : memref<160x128xf32, #tpu.memory_space<vmem>>, vector<1x128xf32>
      %broadcast_in_dim3A_634 = vector.shape_cast %get3A_633 : vector<1x128xf32> to vector<1x128xf32>
      %broadcast_in_dim3A_635 = vector.broadcast %broadcast_in_dim3A_634 : vector<1x128xf32> to vector<128x128xf32>
      %transpose3A_636 = tpu.transpose %broadcast_in_dim3A_635, [1, 0] : vector<128x128xf32> -> vector<128x128xf32>
      %swap3A_637 = arith.constant 1664 : index
      %swap3A_638 = arith.constant 0 : index
      %swap3A_639 = vector.load %arg14[%swap3A_637, %swap3A_638] : memref<2048x128xf32, #tpu.memory_space<vmem>>, vector<128x128xf32>
      tpu.vector_store %arg14[%swap3A_637, %swap3A_638], %transpose3A_636 {strides = array<i32>} : memref<2048x128xf32, #tpu.memory_space<vmem>>, vector<128x128xf32>,
      %get3A_640 = arith.index_cast %add3A_630 : i32 to index
      %get3A_641 = arith.constant 0 : index
      %get3A_642 = vector.load %arg11[%get3A_640, %get3A_641] : memref<160x128xf32, #tpu.memory_space<vmem>>, vector<1x128xf32>
      %broadcast_in_dim3A_643 = vector.shape_cast %get3A_642 : vector<1x128xf32> to vector<1x128xf32>
      %broadcast_in_dim3A_644 = vector.broadcast %broadcast_in_dim3A_643 : vector<1x128xf32> to vector<128x128xf32>
      %transpose3A_645 = tpu.transpose %broadcast_in_dim3A_644, [1, 0] : vector<128x128xf32> -> vector<128x128xf32>
      %swap3A_646 = arith.constant 1664 : index
      %swap3A_647 = arith.constant 0 : index
      %swap3A_648 = vector.load %arg15[%swap3A_646, %swap3A_647] : memref<2048x128xf32, #tpu.memory_space<vmem>>, vector<128x128xf32>
      tpu.vector_store %arg15[%swap3A_646, %swap3A_647], %transpose3A_645 {strides = array<i32>} : memref<2048x128xf32, #tpu.memory_space<vmem>>, vector<128x128xf32>,
      %get3A_649 = arith.index_cast %add3A_630 : i32 to index
      %get3A_650 = arith.constant 0 : index
      %get3A_651 = vector.load %arg12[%get3A_649, %get3A_650] : memref<160x128xf32, #tpu.memory_space<vmem>>, vector<1x128xf32>
      %broadcast_in_dim3A_652 = vector.shape_cast %get3A_651 : vector<1x128xf32> to vector<1x128xf32>
      %broadcast_in_dim3A_653 = vector.broadcast %broadcast_in_dim3A_652 : vector<1x128xf32> to vector<128x128xf32>
      %transpose3A_654 = tpu.transpose %broadcast_in_dim3A_653, [1, 0] : vector<128x128xf32> -> vector<128x128xf32>
      %swap3A_655 = arith.constant 1664 : index
      %swap3A_656 = arith.constant 0 : index
      %swap3A_657 = vector.load %arg16[%swap3A_655, %swap3A_656] : memref<2048x128xf32, #tpu.memory_space<vmem>>, vector<128x128xf32>
      tpu.vector_store %arg16[%swap3A_655, %swap3A_656], %transpose3A_654 {strides = array<i32>} : memref<2048x128xf32, #tpu.memory_space<vmem>>, vector<128x128xf32>,
      %get3A_658 = arith.index_cast %add3A_630 : i32 to index
      %get3A_659 = arith.constant 0 : index
      %get3A_660 = vector.load %arg13[%get3A_658, %get3A_659] : memref<160x128xf32, #tpu.memory_space<vmem>>, vector<1x128xf32>
      %broadcast_in_dim3A_661 = vector.shape_cast %get3A_660 : vector<1x128xf32> to vector<1x128xf32>
      %broadcast_in_dim3A_662 = vector.broadcast %broadcast_in_dim3A_661 : vector<1x128xf32> to vector<128x128xf32>
      %transpose3A_663 = tpu.transpose %broadcast_in_dim3A_662, [1, 0] : vector<128x128xf32> -> vector<128x128xf32>
      %swap3A_664 = arith.constant 1664 : index
      %swap3A_665 = arith.constant 0 : index
      %swap3A_666 = vector.load %arg17[%swap3A_664, %swap3A_665] : memref<2048x128xf32, #tpu.memory_space<vmem>>, vector<128x128xf32>
      tpu.vector_store %arg17[%swap3A_664, %swap3A_665], %transpose3A_663 {strides = array<i32>} : memref<2048x128xf32, #tpu.memory_space<vmem>>, vector<128x128xf32>,
      %add3A_667 = arith.constant 14 : i32
      %add3A_668 = arith.addi %select_n3A, %add3A_667 : i32
      %get3A_669 = arith.index_cast %add3A_668 : i32 to index
      %get3A_670 = arith.constant 0 : index
      %get3A_671 = vector.load %arg10[%get3A_669, %get3A_670] : memref<160x128xf32, #tpu.memory_space<vmem>>, vector<1x128xf32>
      %broadcast_in_dim3A_672 = vector.shape_cast %get3A_671 : vector<1x128xf32> to vector<1x128xf32>
      %broadcast_in_dim3A_673 = vector.broadcast %broadcast_in_dim3A_672 : vector<1x128xf32> to vector<128x128xf32>
      %transpose3A_674 = tpu.transpose %broadcast_in_dim3A_673, [1, 0] : vector<128x128xf32> -> vector<128x128xf32>
      %swap3A_675 = arith.constant 1792 : index
      %swap3A_676 = arith.constant 0 : index
      %swap3A_677 = vector.load %arg14[%swap3A_675, %swap3A_676] : memref<2048x128xf32, #tpu.memory_space<vmem>>, vector<128x128xf32>
      tpu.vector_store %arg14[%swap3A_675, %swap3A_676], %transpose3A_674 {strides = array<i32>} : memref<2048x128xf32, #tpu.memory_space<vmem>>, vector<128x128xf32>,
      %get3A_678 = arith.index_cast %add3A_668 : i32 to index
      %get3A_679 = arith.constant 0 : index
      %get3A_680 = vector.load %arg11[%get3A_678, %get3A_679] : memref<160x128xf32, #tpu.memory_space<vmem>>, vector<1x128xf32>
      %broadcast_in_dim3A_681 = vector.shape_cast %get3A_680 : vector<1x128xf32> to vector<1x128xf32>
      %broadcast_in_dim3A_682 = vector.broadcast %broadcast_in_dim3A_681 : vector<1x128xf32> to vector<128x128xf32>
      %transpose3A_683 = tpu.transpose %broadcast_in_dim3A_682, [1, 0] : vector<128x128xf32> -> vector<128x128xf32>
      %swap3A_684 = arith.constant 1792 : index
      %swap3A_685 = arith.constant 0 : index
      %swap3A_686 = vector.load %arg15[%swap3A_684, %swap3A_685] : memref<2048x128xf32, #tpu.memory_space<vmem>>, vector<128x128xf32>
      tpu.vector_store %arg15[%swap3A_684, %swap3A_685], %transpose3A_683 {strides = array<i32>} : memref<2048x128xf32, #tpu.memory_space<vmem>>, vector<128x128xf32>,
      %get3A_687 = arith.index_cast %add3A_668 : i32 to index
      %get3A_688 = arith.constant 0 : index
      %get3A_689 = vector.load %arg12[%get3A_687, %get3A_688] : memref<160x128xf32, #tpu.memory_space<vmem>>, vector<1x128xf32>
      %broadcast_in_dim3A_690 = vector.shape_cast %get3A_689 : vector<1x128xf32> to vector<1x128xf32>
      %broadcast_in_dim3A_691 = vector.broadcast %broadcast_in_dim3A_690 : vector<1x128xf32> to vector<128x128xf32>
      %transpose3A_692 = tpu.transpose %broadcast_in_dim3A_691, [1, 0] : vector<128x128xf32> -> vector<128x128xf32>
      %swap3A_693 = arith.constant 1792 : index
      %swap3A_694 = arith.constant 0 : index
      %swap3A_695 = vector.load %arg16[%swap3A_693, %swap3A_694] : memref<2048x128xf32, #tpu.memory_space<vmem>>, vector<128x128xf32>
      tpu.vector_store %arg16[%swap3A_693, %swap3A_694], %transpose3A_692 {strides = array<i32>} : memref<2048x128xf32, #tpu.memory_space<vmem>>, vector<128x128xf32>,
      %get3A_696 = arith.index_cast %add3A_668 : i32 to index
      %get3A_697 = arith.constant 0 : index
      %get3A_698 = vector.load %arg13[%get3A_696, %get3A_697] : memref<160x128xf32, #tpu.memory_space<vmem>>, vector<1x128xf32>
      %broadcast_in_dim3A_699 = vector.shape_cast %get3A_698 : vector<1x128xf32> to vector<1x128xf32>
      %broadcast_in_dim3A_700 = vector.broadcast %broadcast_in_dim3A_699 : vector<1x128xf32> to vector<128x128xf32>
      %transpose3A_701 = tpu.transpose %broadcast_in_dim3A_700, [1, 0] : vector<128x128xf32> -> vector<128x128xf32>
      %swap3A_702 = arith.constant 1792 : index
      %swap3A_703 = arith.constant 0 : index
      %swap3A_704 = vector.load %arg17[%swap3A_702, %swap3A_703] : memref<2048x128xf32, #tpu.memory_space<vmem>>, vector<128x128xf32>
      tpu.vector_store %arg17[%swap3A_702, %swap3A_703], %transpose3A_701 {strides = array<i32>} : memref<2048x128xf32, #tpu.memory_space<vmem>>, vector<128x128xf32>,
      %add3A_705 = arith.constant 15 : i32
      %add3A_706 = arith.addi %select_n3A, %add3A_705 : i32
      %get3A_707 = arith.index_cast %add3A_706 : i32 to index
      %get3A_708 = arith.constant 0 : index
      %get3A_709 = vector.load %arg10[%get3A_707, %get3A_708] : memref<160x128xf32, #tpu.memory_space<vmem>>, vector<1x128xf32>
      %broadcast_in_dim3A_710 = vector.shape_cast %get3A_709 : vector<1x128xf32> to vector<1x128xf32>
      %broadcast_in_dim3A_711 = vector.broadcast %broadcast_in_dim3A_710 : vector<1x128xf32> to vector<128x128xf32>
      %transpose3A_712 = tpu.transpose %broadcast_in_dim3A_711, [1, 0] : vector<128x128xf32> -> vector<128x128xf32>
      %swap3A_713 = arith.constant 1920 : index
      %swap3A_714 = arith.constant 0 : index
      %swap3A_715 = vector.load %arg14[%swap3A_713, %swap3A_714] : memref<2048x128xf32, #tpu.memory_space<vmem>>, vector<128x128xf32>
      tpu.vector_store %arg14[%swap3A_713, %swap3A_714], %transpose3A_712 {strides = array<i32>} : memref<2048x128xf32, #tpu.memory_space<vmem>>, vector<128x128xf32>,
      %get3A_716 = arith.index_cast %add3A_706 : i32 to index
      %get3A_717 = arith.constant 0 : index
      %get3A_718 = vector.load %arg11[%get3A_716, %get3A_717] : memref<160x128xf32, #tpu.memory_space<vmem>>, vector<1x128xf32>
      %broadcast_in_dim3A_719 = vector.shape_cast %get3A_718 : vector<1x128xf32> to vector<1x128xf32>
      %broadcast_in_dim3A_720 = vector.broadcast %broadcast_in_dim3A_719 : vector<1x128xf32> to vector<128x128xf32>
      %transpose3A_721 = tpu.transpose %broadcast_in_dim3A_720, [1, 0] : vector<128x128xf32> -> vector<128x128xf32>
      %swap3A_722 = arith.constant 1920 : index
      %swap3A_723 = arith.constant 0 : index
      %swap3A_724 = vector.load %arg15[%swap3A_722, %swap3A_723] : memref<2048x128xf32, #tpu.memory_space<vmem>>, vector<128x128xf32>
      tpu.vector_store %arg15[%swap3A_722, %swap3A_723], %transpose3A_721 {strides = array<i32>} : memref<2048x128xf32, #tpu.memory_space<vmem>>, vector<128x128xf32>,
      %get3A_725 = arith.index_cast %add3A_706 : i32 to index
      %get3A_726 = arith.constant 0 : index
      %get3A_727 = vector.load %arg12[%get3A_725, %get3A_726] : memref<160x128xf32, #tpu.memory_space<vmem>>, vector<1x128xf32>
      %broadcast_in_dim3A_728 = vector.shape_cast %get3A_727 : vector<1x128xf32> to vector<1x128xf32>
      %broadcast_in_dim3A_729 = vector.broadcast %broadcast_in_dim3A_728 : vector<1x128xf32> to vector<128x128xf32>
      %transpose3A_730 = tpu.transpose %broadcast_in_dim3A_729, [1, 0] : vector<128x128xf32> -> vector<128x128xf32>
      %swap3A_731 = arith.constant 1920 : index
      %swap3A_732 = arith.constant 0 : index
      %swap3A_733 = vector.load %arg16[%swap3A_731, %swap3A_732] : memref<2048x128xf32, #tpu.memory_space<vmem>>, vector<128x128xf32>
      tpu.vector_store %arg16[%swap3A_731, %swap3A_732], %transpose3A_730 {strides = array<i32>} : memref<2048x128xf32, #tpu.memory_space<vmem>>, vector<128x128xf32>,
      %get3A_734 = arith.index_cast %add3A_706 : i32 to index
      %get3A_735 = arith.constant 0 : index
      %get3A_736 = vector.load %arg13[%get3A_734, %get3A_735] : memref<160x128xf32, #tpu.memory_space<vmem>>, vector<1x128xf32>
      %broadcast_in_dim3A_737 = vector.shape_cast %get3A_736 : vector<1x128xf32> to vector<1x128xf32>
      %broadcast_in_dim3A_738 = vector.broadcast %broadcast_in_dim3A_737 : vector<1x128xf32> to vector<128x128xf32>
      %transpose3A_739 = tpu.transpose %broadcast_in_dim3A_738, [1, 0] : vector<128x128xf32> -> vector<128x128xf32>
      %swap3A_740 = arith.constant 1920 : index
      %swap3A_741 = arith.constant 0 : index
      %swap3A_742 = vector.load %arg17[%swap3A_740, %swap3A_741] : memref<2048x128xf32, #tpu.memory_space<vmem>>, vector<128x128xf32>
      tpu.vector_store %arg17[%swap3A_740, %swap3A_741], %transpose3A_739 {strides = array<i32>} : memref<2048x128xf32, #tpu.memory_space<vmem>>, vector<128x128xf32>,
      %while3A_743 = arith.constant 0 : i32
      %while3A_744:2 = scf.while (%while3A_747 = %while3A_743, %while3A_748 = %while3A_118) : (i32, i32) -> (i32, i32) {
        %lt3A = arith.constant 2048 : i32
        %lt3A_749 = arith.cmpi slt, %while3A_747, %lt3A : i32
        %lt3A_750 = arith.constant 300 : i32
        %lt3A_751 = arith.cmpi slt, %while3A_748, %lt3A_750 : i32
        %add3A_752 = arith.addi %while3A_117, %while3A_747 : i32
        %lt3A_753 = arith.constant 20000 : i32
        %lt3A_754 = arith.cmpi slt, %add3A_752, %lt3A_753 : i32
        %and3A_755 = arith.andi %lt3A_751, %lt3A_754 : i1
        %and3A_756 = arith.andi %lt3A_749, %and3A_755 : i1
        scf.condition(%and3A_756) %while3A_747, %while3A_748 : i32, i32
      } do {
      ^bb0(%while3A_747: i32, %while3A_748: i32):
        %get3A_749 = arith.index_cast %while3A_747 : i32 to index
        %get3A_750 = arith.constant 0 : index
        %get3A_751 = vector.load %arg14[%get3A_749, %get3A_750] : memref<2048x128xf32, #tpu.memory_space<vmem>>, vector<1x128xf32>
        %broadcast_in_dim3A_752 = vector.shape_cast %get3A_751 : vector<1x128xf32> to vector<1x128xf32>
        %broadcast_in_dim3A_753 = vector.broadcast %broadcast_in_dim3A_752 : vector<1x128xf32> to vector<8x128xf32>
        %get3A_754 = arith.index_cast %while3A_747 : i32 to index
        %get3A_755 = arith.constant 0 : index
        %get3A_756 = vector.load %arg15[%get3A_754, %get3A_755] : memref<2048x128xf32, #tpu.memory_space<vmem>>, vector<1x128xf32>
        %broadcast_in_dim3A_757 = vector.shape_cast %get3A_756 : vector<1x128xf32> to vector<1x128xf32>
        %broadcast_in_dim3A_758 = vector.broadcast %broadcast_in_dim3A_757 : vector<1x128xf32> to vector<8x128xf32>
        %get3A_759 = arith.index_cast %while3A_747 : i32 to index
        %get3A_760 = arith.constant 0 : index
        %get3A_761 = vector.load %arg16[%get3A_759, %get3A_760] : memref<2048x128xf32, #tpu.memory_space<vmem>>, vector<1x128xf32>
        %broadcast_in_dim3A_762 = vector.shape_cast %get3A_761 : vector<1x128xf32> to vector<1x128xf32>
        %broadcast_in_dim3A_763 = vector.broadcast %broadcast_in_dim3A_762 : vector<1x128xf32> to vector<8x128xf32>
        %get3A_764 = arith.index_cast %while3A_747 : i32 to index
        %get3A_765 = arith.constant 0 : index
        %get3A_766 = vector.load %arg17[%get3A_764, %get3A_765] : memref<2048x128xf32, #tpu.memory_space<vmem>>, vector<1x128xf32>
        %broadcast_in_dim3A_767 = vector.shape_cast %get3A_766 : vector<1x128xf32> to vector<1x128xf32>
        %broadcast_in_dim3A_768 = vector.broadcast %broadcast_in_dim3A_767 : vector<1x128xf32> to vector<8x128xf32>
        %get3A_769 = arith.constant 0 : index
        %get3A_770 = arith.constant 0 : index
        %get3A_771 = vector.load %arg18[%get3A_769, %get3A_770] : memref<8x128xf32, #tpu.memory_space<vmem>>, vector<8x128xf32>
        %max3A_772 = arith.maximumf %broadcast_in_dim3A_753, %get3A_771 : vector<8x128xf32>
        %get3A_773 = arith.constant 0 : index
        %get3A_774 = arith.constant 0 : index
        %get3A_775 = vector.load %arg19[%get3A_773, %get3A_774] : memref<8x128xf32, #tpu.memory_space<vmem>>, vector<8x128xf32>
        %max3A_776 = arith.maximumf %broadcast_in_dim3A_758, %get3A_775 : vector<8x128xf32>
        %get3A_777 = arith.constant 0 : index
        %get3A_778 = arith.constant 0 : index
        %get3A_779 = vector.load %arg20[%get3A_777, %get3A_778] : memref<8x128xf32, #tpu.memory_space<vmem>>, vector<8x128xf32>
        %min3A_780 = arith.minimumf %broadcast_in_dim3A_763, %get3A_779 : vector<8x128xf32>
        %get3A_781 = arith.constant 0 : index
        %get3A_782 = arith.constant 0 : index
        %get3A_783 = vector.load %arg21[%get3A_781, %get3A_782] : memref<8x128xf32, #tpu.memory_space<vmem>>, vector<8x128xf32>
        %min3A_784 = arith.minimumf %broadcast_in_dim3A_768, %get3A_783 : vector<8x128xf32>
        %sub3A_785 = arith.subf %min3A_780, %max3A_772 : vector<8x128xf32>
        %max3A_786 = arith.constant 0.000000e+00 : f32
        %max3A_787 = vector.broadcast %max3A_786 : f32 to vector<8x128xf32>
        %max3A_788 = arith.maximumf %sub3A_785, %max3A_787 : vector<8x128xf32>
        %sub3A_789 = arith.subf %min3A_784, %max3A_776 : vector<8x128xf32>
        %max3A_790 = arith.constant 0.000000e+00 : f32
        %max3A_791 = vector.broadcast %max3A_790 : f32 to vector<8x128xf32>
        %max3A_792 = arith.maximumf %sub3A_789, %max3A_791 : vector<8x128xf32>
        %mul3A_793 = arith.mulf %max3A_788, %max3A_792 : vector<8x128xf32>
        %sub3A_794 = arith.subf %broadcast_in_dim3A_763, %broadcast_in_dim3A_753 : vector<8x128xf32>
        %sub3A_795 = arith.subf %broadcast_in_dim3A_768, %broadcast_in_dim3A_758 : vector<8x128xf32>
        %mul3A_796 = arith.mulf %sub3A_794, %sub3A_795 : vector<8x128xf32>
        %get3A_797 = arith.constant 0 : index
        %get3A_798 = arith.constant 0 : index
        %get3A_799 = vector.load %arg22[%get3A_797, %get3A_798] : memref<8x128xf32, #tpu.memory_space<vmem>>, vector<8x128xf32>
        %add3A_800 = arith.addf %mul3A_796, %get3A_799 : vector<8x128xf32>
        %sub3A_801 = arith.subf %add3A_800, %mul3A_793 : vector<8x128xf32>
        %max3A_802 = arith.constant 9.99999993E-9 : f32
        %max3A_803 = vector.broadcast %max3A_802 : f32 to vector<8x128xf32>
        %max3A_804 = arith.maximumf %sub3A_801, %max3A_803 : vector<8x128xf32>
        %div3A_805 = arith.divf %mul3A_793, %max3A_804 : vector<8x128xf32>
        %gt3A = arith.constant 0.699999988 : f32
        %gt3A_806 = vector.broadcast %gt3A : f32 to vector<8x128xf32>
        %gt3A_807 = arith.cmpf ogt, %div3A_805, %gt3A_806 : vector<8x128xf32>
        %jit3A_808 = arith.constant 1.000000e+00 : f32
        %jit3A_809 = arith.constant 0.000000e+00 : f32
        %broadcast_in_dim3A_810 = vector.broadcast %jit3A_808 : f32 to vector<8x128xf32>
        %broadcast_in_dim3A_811 = vector.broadcast %jit3A_809 : f32 to vector<8x128xf32>
        %select_n3A_812 = arith.select %gt3A_807, %broadcast_in_dim3A_810, %broadcast_in_dim3A_811 : vector<8x128xi1>, vector<8x128xf32>
        %dot_general3A = arith.constant dense<0.000000e+00> : vector<8x128xf32>
        %dot_general3A_813 = tpu.matmul %select_n3A_812, %broadcast_in_dim3A_114, %dot_general3A {dimension_numbers = #tpu.dot_dimension_numbers<[1], [0], [0], [1], [0, 0, 1, 1], [], []>, transpose_lhs_hint = false} : vector<8x128xf32>, vector<128x128xf32>, vector<8x128xf32> -> vector<8x128xf32>
        %roll3A = arith.constant 4 : i32
        %roll3A_814 = tpu.dynamic_rotate %dot_general3A_813 by %roll3A dim 0 : vector<8x128xf32>, i32 -> vector<8x128xf32>
        %add3A_815 = arith.addf %dot_general3A_813, %roll3A_814 : vector<8x128xf32>
        %roll3A_816 = arith.constant 2 : i32
        %roll3A_817 = tpu.dynamic_rotate %add3A_815 by %roll3A_816 dim 0 : vector<8x128xf32>, i32 -> vector<8x128xf32>
        %add3A_818 = arith.addf %add3A_815, %roll3A_817 : vector<8x128xf32>
        %roll3A_819 = arith.constant 1 : i32
        %roll3A_820 = tpu.dynamic_rotate %add3A_818 by %roll3A_819 dim 0 : vector<8x128xf32>, i32 -> vector<8x128xf32>
        %add3A_821 = arith.addf %add3A_818, %roll3A_820 : vector<8x128xf32>
        %slice3A = vector.extract_strided_slice %add3A_821 {offsets = [0, 0], sizes = [1, 1], strides = [1, 1]} : vector<8x128xf32> to vector<1x1xf32>
        %squeeze3A = vector.extract %slice3A[0, 0] : f32 from vector<1x1xf32>
        %lt3A = arith.constant 5.000000e-01 : f32
        %lt3A_822 = arith.cmpf olt, %squeeze3A, %lt3A : f32
        %jit3A_823 = arith.constant 1000 : i32
        %select_n3A_824 = arith.select %lt3A_822, %while3A_748, %jit3A_823 : i32
        %jit3A_825 = arith.constant 128 : i32
        %div3A_826 = arith.divsi %select_n3A_824, %jit3A_825 : i32
        %sign3A_827 = arith.constant 0 : i32
        %sign3A_828 = arith.cmpi sgt, %select_n3A_824, %sign3A_827 : i32
        %sign3A_829 = arith.extui %sign3A_828 : i1 to i32
        %sign3A_830 = arith.constant 0 : i32
        %sign3A_831 = arith.cmpi slt, %select_n3A_824, %sign3A_830 : i32
        %sign3A_832 = arith.extui %sign3A_831 : i1 to i32
        %sign3A_833 = arith.subi %sign3A_829, %sign3A_832 : i32
        %sign3A_834 = arith.constant 0 : i32
        %sign3A_835 = arith.cmpi sgt, %jit3A_825, %sign3A_834 : i32
        %sign3A_836 = arith.extui %sign3A_835 : i1 to i32
        %sign3A_837 = arith.constant 0 : i32
        %sign3A_838 = arith.cmpi slt, %jit3A_825, %sign3A_837 : i32
        %sign3A_839 = arith.extui %sign3A_838 : i1 to i32
        %sign3A_840 = arith.subi %sign3A_836, %sign3A_839 : i32
        %ne3A_841 = arith.cmpi ne, %sign3A_833, %sign3A_840 : i32
        %rem3A_842 = arith.remsi %select_n3A_824, %jit3A_825 : i32
        %ne3A_843 = arith.constant 0 : i32
        %ne3A_844 = arith.cmpi ne, %rem3A_842, %ne3A_843 : i32
        %and3A_845 = arith.andi %ne3A_841, %ne3A_844 : i1
        %sub3A_846 = arith.constant 1 : i32
        %sub3A_847 = arith.subi %div3A_826, %sub3A_846 : i32
        %select_n3A_848 = arith.select %and3A_845, %sub3A_847, %div3A_826 : i32
        %eq3A = vector.broadcast %select_n3A_848 : i32 to vector<8x128xi32>
        %eq3A_849 = arith.cmpi eq, %iota3A_111, %eq3A : vector<8x128xi32>
        %jit3A_850 = arith.constant 128 : i32
        %eq3A_851 = arith.constant 0 : i32
        %eq3A_852 = arith.cmpi eq, %jit3A_850, %eq3A_851 : i32
        %jit3A_853 = arith.constant 1 : i32
        %select_n3A_854 = arith.select %eq3A_852, %jit3A_853, %jit3A_850 : i32
        %rem3A_855 = arith.remsi %select_n3A_824, %select_n3A_854 : i32
        %ne3A_856 = arith.constant 0 : i32
        %ne3A_857 = arith.cmpi ne, %rem3A_855, %ne3A_856 : i32
        %lt3A_858 = arith.constant 0 : i32
        %lt3A_859 = arith.cmpi slt, %rem3A_855, %lt3A_858 : i32
        %lt3A_860 = arith.constant 0 : i32
        %lt3A_861 = arith.cmpi slt, %select_n3A_854, %lt3A_860 : i32
        %ne3A_862 = arith.xori %lt3A_859, %lt3A_861 : i1
        %and3A_863 = arith.andi %ne3A_862, %ne3A_857 : i1
        %add3A_864 = arith.addi %rem3A_855, %select_n3A_854 : i32
        %select_n3A_865 = arith.select %and3A_863, %add3A_864, %rem3A_855 : i32
        %eq3A_866 = vector.broadcast %select_n3A_865 : i32 to vector<8x128xi32>
        %eq3A_867 = arith.cmpi eq, %iota3A_112, %eq3A_866 : vector<8x128xi32>
        %and3A_868 = arith.andi %eq3A_849, %eq3A_867 : vector<8x128xi1>
        %jit3A_869 = arith.constant 0.000000e+00 : f32
        %broadcast_in_dim3A_870 = vector.broadcast %jit3A_869 : f32 to vector<8x128xf32>
        %select_n3A_871 = arith.select %lt3A_822, %broadcast_in_dim3A_753, %broadcast_in_dim3A_870 : vector<8x128xf32>
        %get3A_872 = arith.constant 0 : index
        %get3A_873 = arith.constant 0 : index
        %get3A_874 = vector.load %arg18[%get3A_872, %get3A_873] : memref<8x128xf32, #tpu.memory_space<vmem>>, vector<8x128xf32>
        %select_n3A_875 = arith.select %and3A_868, %select_n3A_871, %get3A_874 : vector<8x128xi1>, vector<8x128xf32>
        %swap3A_876 = arith.constant 0 : index
        %swap3A_877 = arith.constant 0 : index
        %swap3A_878 = vector.load %arg18[%swap3A_876, %swap3A_877] : memref<8x128xf32, #tpu.memory_space<vmem>>, vector<8x128xf32>
        tpu.vector_store %arg18[%swap3A_876, %swap3A_877], %select_n3A_875 {strides = array<i32>} : memref<8x128xf32, #tpu.memory_space<vmem>>, vector<8x128xf32>,
        %jit3A_879 = arith.constant 0.000000e+00 : f32
        %broadcast_in_dim3A_880 = vector.broadcast %jit3A_879 : f32 to vector<8x128xf32>
        %select_n3A_881 = arith.select %lt3A_822, %broadcast_in_dim3A_758, %broadcast_in_dim3A_880 : vector<8x128xf32>
        %get3A_882 = arith.constant 0 : index
        %get3A_883 = arith.constant 0 : index
        %get3A_884 = vector.load %arg19[%get3A_882, %get3A_883] : memref<8x128xf32, #tpu.memory_space<vmem>>, vector<8x128xf32>
        %select_n3A_885 = arith.select %and3A_868, %select_n3A_881, %get3A_884 : vector<8x128xi1>, vector<8x128xf32>
        %swap3A_886 = arith.constant 0 : index
        %swap3A_887 = arith.constant 0 : index
        %swap3A_888 = vector.load %arg19[%swap3A_886, %swap3A_887] : memref<8x128xf32, #tpu.memory_space<vmem>>, vector<8x128xf32>
        tpu.vector_store %arg19[%swap3A_886, %swap3A_887], %select_n3A_885 {strides = array<i32>} : memref<8x128xf32, #tpu.memory_space<vmem>>, vector<8x128xf32>,
        %jit3A_889 = arith.constant 0.000000e+00 : f32
        %broadcast_in_dim3A_890 = vector.broadcast %jit3A_889 : f32 to vector<8x128xf32>
        %select_n3A_891 = arith.select %lt3A_822, %broadcast_in_dim3A_763, %broadcast_in_dim3A_890 : vector<8x128xf32>
        %get3A_892 = arith.constant 0 : index
        %get3A_893 = arith.constant 0 : index
        %get3A_894 = vector.load %arg20[%get3A_892, %get3A_893] : memref<8x128xf32, #tpu.memory_space<vmem>>, vector<8x128xf32>
        %select_n3A_895 = arith.select %and3A_868, %select_n3A_891, %get3A_894 : vector<8x128xi1>, vector<8x128xf32>
        %swap3A_896 = arith.constant 0 : index
        %swap3A_897 = arith.constant 0 : index
        %swap3A_898 = vector.load %arg20[%swap3A_896, %swap3A_897] : memref<8x128xf32, #tpu.memory_space<vmem>>, vector<8x128xf32>
        tpu.vector_store %arg20[%swap3A_896, %swap3A_897], %select_n3A_895 {strides = array<i32>} : memref<8x128xf32, #tpu.memory_space<vmem>>, vector<8x128xf32>,
        %jit3A_899 = arith.constant 0.000000e+00 : f32
        %broadcast_in_dim3A_900 = vector.broadcast %jit3A_899 : f32 to vector<8x128xf32>
        %select_n3A_901 = arith.select %lt3A_822, %broadcast_in_dim3A_768, %broadcast_in_dim3A_900 : vector<8x128xf32>
        %get3A_902 = arith.constant 0 : index
        %get3A_903 = arith.constant 0 : index
        %get3A_904 = vector.load %arg21[%get3A_902, %get3A_903] : memref<8x128xf32, #tpu.memory_space<vmem>>, vector<8x128xf32>
        %select_n3A_905 = arith.select %and3A_868, %select_n3A_901, %get3A_904 : vector<8x128xi1>, vector<8x128xf32>
        %swap3A_906 = arith.constant 0 : index
        %swap3A_907 = arith.constant 0 : index
        %swap3A_908 = vector.load %arg21[%swap3A_906, %swap3A_907] : memref<8x128xf32, #tpu.memory_space<vmem>>, vector<8x128xf32>
        tpu.vector_store %arg21[%swap3A_906, %swap3A_907], %select_n3A_905 {strides = array<i32>} : memref<8x128xf32, #tpu.memory_space<vmem>>, vector<8x128xf32>,
        %jit3A_909 = arith.constant 0.000000e+00 : f32
        %broadcast_in_dim3A_910 = vector.broadcast %jit3A_909 : f32 to vector<8x128xf32>
        %select_n3A_911 = arith.select %lt3A_822, %mul3A_796, %broadcast_in_dim3A_910 : vector<8x128xf32>
        %get3A_912 = arith.constant 0 : index
        %get3A_913 = arith.constant 0 : index
        %get3A_914 = vector.load %arg22[%get3A_912, %get3A_913] : memref<8x128xf32, #tpu.memory_space<vmem>>, vector<8x128xf32>
        %select_n3A_915 = arith.select %and3A_868, %select_n3A_911, %get3A_914 : vector<8x128xi1>, vector<8x128xf32>
        %swap3A_916 = arith.constant 0 : index
        %swap3A_917 = arith.constant 0 : index
        %swap3A_918 = vector.load %arg22[%swap3A_916, %swap3A_917] : memref<8x128xf32, #tpu.memory_space<vmem>>, vector<8x128xf32>
        tpu.vector_store %arg22[%swap3A_916, %swap3A_917], %select_n3A_915 {strides = array<i32>} : memref<8x128xf32, #tpu.memory_space<vmem>>, vector<8x128xf32>,
        %jit3A_919 = arith.constant 302 : i32
        %select_n3A_920 = arith.select %lt3A_822, %while3A_748, %jit3A_919 : i32
        %eq3A_921 = arith.constant 0 : i32
        %eq3A_922 = vector.broadcast %eq3A_921 : i32 to vector<1x128xi32>
        %eq3A_923 = arith.cmpi eq, %iota3A, %eq3A_922 : vector<1x128xi32>
        %slice3A_924 = vector.extract_strided_slice %broadcast_in_dim3A_753 {offsets = [0, 0], sizes = [1, 128], strides = [1, 1]} : vector<8x128xf32> to vector<1x128xf32>
        %jit3A_925 = arith.constant 0.000000e+00 : f32
        %broadcast_in_dim3A_926 = vector.broadcast %jit3A_925 : f32 to vector<1x128xf32>
        %select_n3A_927 = arith.select %eq3A_923, %slice3A_924, %broadcast_in_dim3A_926 : vector<1x128xi1>, vector<1x128xf32>
        %eq3A_928 = arith.constant 1 : i32
        %eq3A_929 = vector.broadcast %eq3A_928 : i32 to vector<1x128xi32>
        %eq3A_930 = arith.cmpi eq, %iota3A, %eq3A_929 : vector<1x128xi32>
        %slice3A_931 = vector.extract_strided_slice %broadcast_in_dim3A_758 {offsets = [0, 0], sizes = [1, 128], strides = [1, 1]} : vector<8x128xf32> to vector<1x128xf32>
        %select_n3A_932 = arith.select %eq3A_930, %slice3A_931, %select_n3A_927 : vector<1x128xi1>, vector<1x128xf32>
        %eq3A_933 = arith.constant 2 : i32
        %eq3A_934 = vector.broadcast %eq3A_933 : i32 to vector<1x128xi32>
        %eq3A_935 = arith.cmpi eq, %iota3A, %eq3A_934 : vector<1x128xi32>
        %slice3A_936 = vector.extract_strided_slice %broadcast_in_dim3A_763 {offsets = [0, 0], sizes = [1, 128], strides = [1, 1]} : vector<8x128xf32> to vector<1x128xf32>
        %select_n3A_937 = arith.select %eq3A_935, %slice3A_936, %select_n3A_932 : vector<1x128xi1>, vector<1x128xf32>
        %eq3A_938 = arith.constant 3 : i32
        %eq3A_939 = vector.broadcast %eq3A_938 : i32 to vector<1x128xi32>
        %eq3A_940 = arith.cmpi eq, %iota3A, %eq3A_939 : vector<1x128xi32>
        %slice3A_941 = vector.extract_strided_slice %broadcast_in_dim3A_768 {offsets = [0, 0], sizes = [1, 128], strides = [1, 1]} : vector<8x128xf32> to vector<1x128xf32>
        %select_n3A_942 = arith.select %eq3A_940, %slice3A_941, %select_n3A_937 : vector<1x128xi1>, vector<1x128xf32>
        %swap3A_943 = arith.index_cast %select_n3A_920 : i32 to index
        %swap3A_944 = arith.constant 0 : index
        %swap3A_945 = vector.load %arg9[%swap3A_943, %swap3A_944] : memref<304x128xf32, #tpu.memory_space<vmem>>, vector<1x128xf32>
        tpu.vector_store %arg9[%swap3A_943, %swap3A_944], %select_n3A_942 {strides = array<i32>} : memref<304x128xf32, #tpu.memory_space<vmem>>, vector<1x128xf32>,
        %add3A_946 = arith.constant 1 : i32
        %add3A_947 = arith.addi %while3A_747, %add3A_946 : i32
        %convert_element_type3A = arith.extui %lt3A_822 : i1 to i32
        %add3A_948 = arith.addi %while3A_748, %convert_element_type3A : i32
        scf.yield %add3A_947, %add3A_948 : i32, i32
      }
      %add3A_745 = arith.constant 2048 : i32
      %add3A_746 = arith.addi %while3A_117, %add3A_745 : i32
      scf.yield %add3A_746, %while3A_744#1 : i32, i32
    }
    return
  }
}

</mosaic_0001>

<sc_bundles>
// kernel: gather_offload_async_start.1
scs
__scs_entry_jumppad:
0x0: {  	(pc) =	sbr.rel $0x88, $3  }
0x1: {  	(tag) =	ssettag $0x0;
	lr =	simm.s32 $0x1  }
0x2: {  	[smem:$0x3F9D] =	sst lr;
	_ =	strace $0xD0000000  }
0x3: {  	_ = 	snop  }
0x4: {  	_ = 	snop  }
0x5: {  	_ = 	snop  }
0x6: {  	_ = 	snop  }
0x7: {  	_ = 	snop  }
__scs_overlays_trampoline_lowered:
0x8: {  	[smem:$0x3FAC] =	sst s0  }
0x9: {  	[smem:$0x3FAD] =	sst s1  }
0xa: {  	[smem:$0x3FAE] =	sst s2  }
0xb: {  	[smem:$0x3FAF] =	sst s3  }
0xc: {  	[smem:$0x3FB0] =	sst s4  }
0xd: {  	[smem:$0x3FB1] =	sst s5  }
0xe: {  	[smem:$0x3FB2] =	sst s6  }
0xf: {  	[smem:$0x3FB3] =	sst s7  }
0x10: {  	[smem:$0x3FB4] =	sst s8  }
0x11: {  	[smem:$0x3FB5] =	sst s9;
	s0 =	simm.s32 @!p0 $0x0  }
0x12: {  	s1 =	sld [smem:$0x3F9B];
	s0 =	simm.s32 @p0 $0x1  }
0x13: {  	[smem:$0x3FB6] =	sst s0;
	s0 =	simm.s32 @!p1 $0x0  }
0x14: {  	s2 =	sld [smem:$0x3F9A];
	s0 =	simm.s32 @p1 $0x1  }
0x15: {  	[smem:$0x3FB7] =	sst s0;
	s0 =	simm.s32 @!p2 $0x0  }
0x16: {  	s3 =	sld [smem:$0x3FDB];
	s0 =	simm.s32 @p2 $0x1  }
0x17: {  	s4 =	simm.s32 $0x1BF5;
	[smem:$0x3FB9] =	sst s0  }
0x18: {  	s0 =	sld [smem:$0x3F9C];
	_ =	swait.ge [sflag:s4], $0x0  }
0x19: {  	s7 =	sld [smem:$0x3F9D]  }
0x1a: {  	s8 =	sadd.s32 $0xFFFFE003, lr  }
0x1b: {  	s9 =	sadd.s32 $0xFFFFFEF7, lr;
	s5 =	simm.s32 $0xFFFFFFFF;
	p2 =	slt.u32 s8, $0xFFFFF086  }
0x1c: {  	p1 =	slt.u32 s9, $0xF7A;
	s5 =	simm.s32 @!p2 $0x0  }
0x1d: {  	s5 =	simm.s32 @p1 $0x1;
	p0 =	seq.s32 s7, s2  }
0x1e: {  	s7 =	smul.u32 @!p0 $0xF7A, s2;
	p2 =	seq.s32 @!p0 s5, $0x0  }
0x1f: {  	s9 =	smul.u32 $0xF7A, s1;
	s8 =	simm.s32 @!p0 $0x1BF5;
	p2 =	por !p2, p0  }
0x20: {  	[sflag:s8] =	ssyncset.s32 @!p0 $0xFFFFF086;
	s6 =	sadd.s32 @!p0 s3, s7;
	s7 =	simm.s32 @!p0 $0x108  }
0x21: {  	s3 =	sadd.s32 s3, s9;
	s6 =	sadd.s32 @!p0 $0x88, s6;
	s7 =	simm.s32 @p2 $0x1082  }
0x22: {  	[simem:s7], [sflag:s8] =	dma.local @!p0 [hbm:s6], $0xF7A  }
0x23: {  	s9 =	sor.u32 $0xD0000000, s2;
	s6 =	simm.s32 $0x108;
	_ =	swait.ge @!p0 [sflag:s8], $0x0  }
0x24: {  	s3 =	sadd.s32 $0x88, s3;
	s6 =	simm.s32 @!p1 $0x1082;
	[sflag:s4] =	ssyncset.s32 $0xFFFFF086  }
0x25: {  	[simem:s6], [sflag:s4] =	dma.local [hbm:s3], $0xF7A  }
0x26: {  	[smem:$0x3F9D] =	sst s1;
	(tag) =	ssettag s2;
	_ =	strace s9  }
0x27: {  	s1 =	sld [smem:$0x3FAD]  }
0x28: {  	s2 =	sld [smem:$0x3FAE]  }
0x29: {  	s4 =	sld [smem:$0x3FB0]  }
0x2a: {  	p0 =	seq.s32 s5, $0x0;
	s5 =	sld [smem:$0x3FB1]  }
0x2b: {  	s6 =	sld [smem:$0x3FB2]  }
0x2c: {  	s7 =	sld [smem:$0x3FB3]  }
0x2d: {  	s3 =	simm.s32 $0x108;
	s8 =	sld [smem:$0x3FB4]  }
0x2e: {  	s3 =	simm.s32 @!p0 $0x1082;
	s9 =	sld [smem:$0x3FB5]  }
0x2f: {  	lr =	sadd.s32 s0, s3;
	s0 =	sld [smem:$0x3FAC]  }
0x30: {  	s3 =	sld [smem:$0x3FAF]  }
0x31: {  	[smem:$0x3FB8] =	sst s10  }
0x32: {  	s10 =	sld [smem:$0x3FB6];
	_ =	sdelay $0x3  }
0x33: {  	p0 =	seq.s32 s10, $0x1;
	s10 =	sld [smem:$0x3FB8];
	_ =	sdelay $0x3  }
0x34: {  	[smem:$0x3FB8] =	sst s10  }
0x35: {  	s10 =	sld [smem:$0x3FB7];
	_ =	sdelay $0x3  }
0x36: {  	p1 =	seq.s32 s10, $0x1;
	s10 =	sld [smem:$0x3FB8];
	_ =	sdelay $0x3  }
0x37: {  	[smem:$0x3FB8] =	sst s10  }
0x38: {  	s10 =	sld [smem:$0x3FB9]  }
0x39: {  	_ = 	snop;
	(pc) =	sbr.ind lr, $3  }
0x3a: {  	_ = 	snop  }
0x3b: {  	_ = 	snop  }
0x3c: {  	p2 =	seq.s32 s10, $0x1;
	s10 =	sld [smem:$0x3FB8]  }
0x3d: {  	_ =	shalt  }
0x3e: {  	_ =	shalt  }
0x3f: {  	_ =	shalt  }
0x40: {  	_ =	shalt  }
0x41: {  	_ =	shalt  }
0x42: {  	_ =	shalt  }
0x43: {  	_ =	shalt  }
0x44: {  	_ =	shalt  }
0x45: {  	_ =	shalt  }
0x46: {  	_ =	shalt  }
0x47: {  	_ =	shalt  }
0x48: {  	_ =	shalt  }
0x49: {  	_ =	shalt  }
0x4a: {  	_ =	shalt  }
0x4b: {  	_ =	shalt  }
0x4c: {  	_ =	shalt  }
0x4d: {  	_ =	shalt  }
0x4e: {  	_ =	shalt  }
0x4f: {  	_ =	shalt  }
0x50: {  	_ =	shalt  }
0x51: {  	_ =	shalt  }
0x52: {  	_ =	shalt  }
0x53: {  	_ =	shalt  }
0x54: {  	_ =	shalt  }
0x55: {  	_ =	shalt  }
0x56: {  	_ =	shalt  }
0x57: {  	_ =	shalt  }
0x58: {  	_ =	shalt  }
0x59: {  	_ =	shalt  }
0x5a: {  	_ =	shalt  }
0x5b: {  	_ =	shalt  }
0x5c: {  	_ =	shalt  }
0x5d: {  	_ =	shalt  }
0x5e: {  	_ =	shalt  }
0x5f: {  	_ =	shalt  }
0x60: {  	_ =	shalt  }
0x61: {  	_ =	shalt  }
0x62: {  	_ =	shalt  }
0x63: {  	_ =	shalt  }
0x64: {  	_ =	shalt  }
0x65: {  	_ =	shalt  }
0x66: {  	_ =	shalt  }
0x67: {  	_ =	shalt  }
0x68: {  	_ =	shalt  }
0x69: {  	_ =	shalt  }
0x6a: {  	_ =	shalt  }
0x6b: {  	_ =	shalt  }
0x6c: {  	_ =	shalt  }
0x6d: {  	_ =	shalt  }
0x6e: {  	_ =	shalt  }
0x6f: {  	_ =	shalt  }
0x70: {  	_ =	shalt  }
0x71: {  	_ =	shalt  }
0x72: {  	_ =	shalt  }
0x73: {  	_ =	shalt  }
0x74: {  	_ =	shalt  }
0x75: {  	_ =	shalt  }
0x76: {  	_ =	shalt  }
0x77: {  	_ =	shalt  }
0x78: {  	_ =	shalt  }
0x79: {  	_ =	shalt  }
0x7a: {  	_ =	shalt  }
0x7b: {  	_ =	shalt  }
0x7c: {  	_ =	shalt  }
0x7d: {  	_ =	shalt  }
0x7e: {  	_ =	shalt  }
0x7f: {  	_ =	shalt  }
0x80: {  	_ =	shalt  }
0x81: {  	_ =	shalt  }
0x82: {  	_ =	shalt  }
0x83: {  	_ =	shalt  }
0x84: {  	_ =	shalt  }
0x85: {  	_ =	shalt  }
0x86: {  	_ =	shalt  }
0x87: {  	_ =	shalt  }
.Lfunc_end0:
.L_simem_size_0:
called_computation.1_lowered:
.L_overlay_start_0:
0x88: {  	s2 =	sld [smem:$0x3FD9]  }
0x89: {  	s3 =	sld [smem:$0x3FFE];
	_ =	sdelay $0x1  }
0x8a: {  	s1 =	srdreg.scid  }
0x8b: {  	s0 =	sand.u32 $0x1, s1  }
0x8c: {  	s16 =	sshll.u32 s0, $0xA;
	s2 =	sadd.s32 s3, s2  }
0x8d: {  	s2 =	sadd.s32 s2, s16  }
0x8e: {  	[smem:$0x3FC4] =	sst s2  }
0x8f: {  	_ = 	snop  }
0x90: {  	(tm) =	ssettm $0x1  }
0x91: {  	s17 =	sld [smem:$0x3FFB];
	_ =	sdelay $0x3  }
0x92: {  	_ =	strace s17  }
0x93: {  	s2 =	sld [smem:$0x3FFC];
	_ =	sdelay $0x3  }
0x94: {  	_ =	strace s2  }
0x95: {  	s2 =	sld [smem:$0x3FFD];
	_ =	sdelay $0x3  }
0x96: {  	_ =	strace s2  }
0x97: {  	_ =	strace $0x8FFFFFFF  }
0x98: {  	s18 =	sld [smem:$0x3FDB];
	_ =	sdelay $0x1  }
0x99: {  	s19 =	simm.s32 $_scs_section_size  }
0x9a: {  	s4 =	simm.s32 $_size__tile_overlayer_lowered;
	s5 =	simm.s32 $_tile_overlayer_lowered  }
0x9b: {  	s22 =	simm.s32 $0x1BFF;
	s21 =	sshll.u32 s5, $0x1;
	s2 =	sadd.s32 s19, s18  }
0x9c: {  	s6 =	simm.s32 $0x0;
	s20 =	sshll.u32 s4, $0x1;
	s4 =	sadd.s32 s21, s2  }
0x9d: {  	[timem:s6], [sflag:s22] =	dma.local [hbm:s4], s20  }
0x9e: {  	_ =	swait.ge [sflag:s22], s20  }
0x9f: {  	s3 =	ssub.s32 $0x0, s20;
	[sflag:s22] =	ssyncset.done $0x0  }
0xa0: {  	[sflag:s22] =	ssyncadd.s32 s3;
	_ =	sdelay $0x1  }
0xa1: {  	s23 =	simm.s32 $0x1B8B  }
0xa2: {  	_ =	swait.ge [sflag:s23], $0x1  }
0xa3: {  	[sflag:s23] =	ssyncset.done $0x0  }
0xa4: {  	s25 =	simm.s32 $0x1B8E;
	s24 =	sld [smem:$0x3FFE];
	[sflag:s23] =	ssyncadd.s32 $0xFFFFFFFF  }
0xa5: {  	s26 =	simm.s32 $execute0_lowered;
	[smem:$0x3FD2] =	sst s25  }
0xa6: {  	s4 =	sshll.u32 s26, $0x1;
	_ =	strace $0x80000046;
	[dreg:$0x1] =	wrdreg $0xFFFFFFFF  }
0xa7: {  	s28 =	simm.s32 $_size_execute0_lowered;
	s2 =	sadd.s32 s2, s4;
	[dreg:$0x0] =	wrdreg $0x0  }
0xa8: {  	s4 =	sshll.u32 s28, $0x1;
	[dreg:$0x2] =	wrdreg s2  }
0xa9: {  	[dreg:$0x3] =	wrdreg s4  }
0xaa: {  	[dreg:$0x4] =	wrdreg $0xC0  }
0xab: {  	_ =	task [dreg:s6], $0x5FFFF  }
0xac: {  	[dreg:$0x1] =	wrdreg $0xFFFFFFFF  }
0xad: {  	[dreg:$0x0] =	wrdreg $0x60  }
0xae: {  	[dreg:$0x2] =	wrdreg s24  }
0xaf: {  	[dreg:$0x3] =	wrdreg $0x9  }
0xb0: {  	_ =	task.clear_ibuf [dreg:s6], $0x4FFFF;
	_ =	strace $0x90000046  }
0xb1: {  	s29 =	simm.s32 $0x9;
	_ =	strace $0x80000048  }
0xb2: {  	_ =	swait.ge [sflag:s29], $0x1  }
0xb3: {  	[sflag:s29] =	ssyncadd.s32 $0xFFFFFFFF  }
0xb4: {  	_ =	strace $0x90000048  }
0xb5: {  	_ =	sfence  }
0xb6: {  	s30 =	sld [smem:$0x0];
	_ =	sdelay $0x2  }
0xb7: {  	s31 =	sshll.u32 s1, $0xD;
	s1 =	sshrl.u32 s1, $0x2  }
0xb8: {  	s3 =	sand.u32 $0x4000, s31;
	s1 =	sadd.s32 s1, s30  }
0xb9: {  	s0 =	sor.u32 s3, s0;
	s1 =	sshll.u32 s1, $0x11  }
0xba: {  	s0 =	sor.u32 s1, s0  }
0xbb: {  	s0 =	sadd.s32 $0x8F2B, s0  }
0xbc: {  	[sflag:s0] =	ssyncadd.remote.s32 $0x1  }
0xbd: {  	_ =	sfence.sel $0xFFFF  }
0xbe: {  	[dreg:$0x0] =	wrdreg $0xFFFFFFFF;
	(pc) =	sbr.abs _section_cstart, $3  }
0xbf: {  	[dreg:$0x1] =	wrdreg $0xFFFFFFFF  }
0xc0: {  	_ =	task.clear_ibuf [dreg:s6], $0x2FFFF;
	_ =	strace $0x9FFFFFFF  }
0xc1: {  	(tm) =	ssettm $0x7FFFFFFF  }
tec
execute0_lowered:
.L_overlay_start_1:
0x0: {  	(tag) =	ssettag $0x1  }
0x1: {  	s0 =	srdreg.scid  }
0x2: {  	s1 =	sshll.u32 s0, $0x4  }
0x3: {  	s0 =	stileid.u32;
	s1 =	sand.u32 $0x10, s1  }
0x4: {  	s2 =	sor.u32 s0, s1  }
0x5: {  	s1 =	smin.u32 s2, $0x12  }
0x6: {  	s1 =	sadd.s32 s2, s1  }
0x7: {  	p0 =	slt.u32 s2, $0x12;
	s2 =	simm.s32 $0x320;
	s1 =	smul.u32 $0x190, s1  }
0x8: {  	s2 =	simm.s32 @!p0 $0x190  }
0x9: {  	s2 =	sadd.s32 s2, s1  }
0xa: {  	s3 =	smin.u32 s2, $0x4E20  }
0xb: {  	s7 =	ssub.s32 s3, s1  }
0xc: {  	p0 =	sgt.s32 s7, $0x0  }
0xd: {  	s7 =	simm.s32 @!p0 $0x0  }
0xe: {  	s31 =	sand.u32 $0xFFF0, s7  }
0xf: {  	s2 =	sshrl.u32 s31, $0x4  }
0x10: {  	s2 =	smul.u32 $0xA3E, s2  }
0x11: {  	s4 =	rddreg [dreg:$0x0];
	s6 =	simm.s32 $0x1  }
0x12: {  	s10 =	simm.s32 $0x3;
	s13 =	simm.s32 $0x0;
	s8 =	sshrl.u32 s2, $0x10  }
0x13: {  	s12 =	simm.s32 $0x0;
	s5 =	sadd.s32 $0xA00, s4;
	s9 =	smul.u32 $0x190, s8  }
.Ltmp0:
0x14: {  	s11 =	smov.u32 s1;
	s2 =	rddreg [dreg:$0x1];
	(pc) =	sbr.rel .LBB2_1-.Ltmp0, $4  }
0x15: {  	_ =	strace $0x80000047;
	p0 =	sne.s32 s7, s9;
	s9 =	simm.s32 $0x1  }
0x16: {  	[sflag:s6] =	ssyncpa.u1 $0x0;
	s7 =	simm.s32 $0x2;
	s9 =	simm.s32 @!p0 $0x0  }
0x17: {  	[sflag:s7] =	ssyncpa.u1 $0x0;
	p0 =	por $0x0, $0x0;
	s8 =	sadd.s32 s8, s9  }
0x18: {  	vm0 =	vmmov $0xff;
	vm1 =	vcmask $0x3F20;
	s9 =	sadd.s32 $0x4EC00, s4;
	[sflag:s10] =	ssyncpa.u1 $0x0;
	s10 =	sadd.s32 $0x1, s8  }
.LBB2_6:
0x19: {  	[hbm:s17] =	stream.linear.scatter [tilespmem:s14], [sflag:$0x3], $0x400, $0x38;
	[tilespmem:$0x19320] =	vst v63  }
.LBB2_7:
0x1a: {  	s13 =	sadd.s32 $0x190, s11  }
0x1b: {  	s15 =	smov.u32 s1;
	p2 =	slt.s32 s13, s3  }
0x1c: {  	s15 =	smov.u32 @p2 s13;
	p2 =	sne.s32 s12, s10  }
.Ltmp1:
0x1d: {  	p1 =	slt.u32 s12, $0x2;
	(pc) =	sbr.rel @!p2 .LBB2_8-.Ltmp1, $4  }
0x1e: {  	s14 =	simm.s32 @!p1 $0x3  }
0x1f: {  	s16 =	sadd.s32 $0x1, s12;
	_ =	swait.ge @!p1 [sflag:s14], $0xC800  }
0x20: {  	p0 =	por !p0, !p0;
	s13 =	smov.u32 s11;
	[sflag:s14] =	ssyncset.done @!p1 $0x0  }
0x21: {  	s12 =	smov.u32 s16;
	s11 =	smov.u32 s15;
	[sflag:s14] =	ssyncadd.s32 @!p1 $0xFFFF3800  }
.LBB2_1:
0x22: {  	p1 =	sge.u32 s12, s8  }
0x23: {  	s14 =	sxor.u32 @!p1 $0xFFFFFFFF, s12  }
0x24: {  	s14 =	sand.u32 @!p1 $0x1, s14  }
0x25: {  	s14 =	smul.u32 @!p1 $0x640, s14  }
0x26: {  	s31 =	sadd.s32 $0xFFFFFFFF, s12;
	s15 =	sshrl.u32 @!p1 s11, $0x3  }
0x27: {  	s16 =	sand.u32 @!p1 $0x7, s11;
	s15 =	sadd.s32 @!p1 s4, s15;
	s14 =	sshrl.u32 @!p1 s14, $0x2  }
0x28: {  	[tilespmem:s14], [sflag:$0x2] =	stream.linear.gather @!p1 [hbm4b:s15+s16], $0x190, $0x38;
	[tilespmem:$0x19320] =	vst v63  }
0x29: {  	p1 =	sge.u32 s31, s8  }
.Ltmp2:
0x2a: {  	_ = 	snop;
	(pc) =	sbr.rel @p1 .LBB2_7-.Ltmp2, $1  }
0x2b: {  	_ =	sdelay $0x3  }
0x2c: {  	s14 =	simm.s32 $0x1  }
0x2d: {  	s14 =	simm.s32 @!p0 $0x0  }
0x2e: {  	s15 =	smul.u32 $0x640, s14  }
0x2f: {  	_ =	swait.ge [sflag:s7], $0x190  }
0x30: {  	[sflag:s7] =	ssyncset.done $0x0;
	s16 =	sshrl.u32 s15, $0x2  }
0x31: {  	[sflag:s7] =	ssyncadd.s32 $0xFFFFFE70;
	s15 =	sadd.s32 $0x0, s16  }
0x32: {  	v0 =	vld.msk [tilespmem:s15+$0x0 ss:$0x1], $0xffff;
	_ =	sdelay $0x4  }
0x33: {  	vm2 =	vgt.s32 v0, $0x0  }
0x34: {  	v0 =	vnsel vm2, $0x0, v0  }
0x35: {  	v0 =	vmin.u32 v0, $0x4E1F  }
0x36: {  	v0 =	vshll.u32 v0, $0x4  }
0x37: {  	s14 =	smul.u32 $0x32000, s14;
	_ =	sdelay $0x1  }
0x38: {  	s14 =	sshrl.u32 s14, $0x2  }
0x39: {  	s14 =	sor.u32 $0x320, s14  }
0x3a: {  	[tilespmem:s14], [sflag:$0x1] =	stream.indirect_vreg.gather [hbm:s5], $0x80, v0, vm0, $0x38;
	[tilespmem:$0x19320] =	vst v63  }
0x3b: {  	s17 =	sadd.s32 $0x10, s16;
	s15 =	sadd.s32 $0x400, s14  }
0x3c: {  	[tilespmem:s15], [sflag:$0x1] =	stream.indirect_vreg.gather [hbm:s5], $0x80, v0, vm1, $0x38;
	[tilespmem:$0x19320] =	vst v63  }
0x3d: {  	s18 =	simm.s32 $0x80;
	v0 =	vld.msk [tilespmem:s17+$0x0 ss:$0x1], $0xffff;
	s17 =	smov.u32 s14  }
.LBB2_3:
0x3e: {  	p1 =	sne.s32 s18, $0x600;
	_ =	sdelay $0x4  }
0x3f: {  	vm2 =	vgt.s32 v0, $0x0  }
0x40: {  	v0 =	vnsel vm2, $0x0, v0  }
0x41: {  	v0 =	vmin.u32 v0, $0x4E1F  }
0x42: {  	v0 =	vshll.u32 v0, $0x4;
	_ =	sdelay $0x3  }
.Ltmp3:
0x43: {  	s19 =	sshra.s32 s18, $0x2;
	s17 =	sadd.s32 $0x800, s17;
	(pc) =	sbr.rel @p1 .LBB2_3-.Ltmp3, $4  }
0x44: {  	[tilespmem:s17], [sflag:$0x1] =	stream.indirect_vreg.gather [hbm:s5], $0x80, v0, vm0, $0x38;
	[tilespmem:$0x19320] =	vst v63  }
0x45: {  	s19 =	sadd.s32 s19, s16;
	s20 =	sadd.s32 $0x400, s17  }
0x46: {  	[tilespmem:s20], [sflag:$0x1] =	stream.indirect_vreg.gather [hbm:s5], $0x80, v0, vm1, $0x38;
	[tilespmem:$0x19320] =	vst v63  }
0x47: {  	s18 =	sadd.s32 $0x40, s18;
	v0 =	vld.msk [tilespmem:s19+$0x0 ss:$0x1], $0xffff  }
0x48: {  	_ =	sdelay $0x3  }
0x49: {  	vm2 =	vgt.s32 v0, $0x0  }
0x4a: {  	v0 =	vnsel vm2, $0x0, v0  }
0x4b: {  	v0 =	vmin.u32 v0, $0x4E1F  }
0x4c: {  	v0 =	vshll.u32 v0, $0x4;
	_ =	sdelay $0x3  }
0x4d: {  	s16 =	sadd.s32 $0x800, s17  }
0x4e: {  	[tilespmem:s16], [sflag:$0x1] =	stream.indirect_vreg.gather [hbm:s5], $0x80, v0, vm0, $0x38;
	[tilespmem:$0x19320] =	vst v63  }
0x4f: {  	s16 =	sadd.s32 $0x400, s16  }
0x50: {  	[tilespmem:s16], [sflag:$0x1] =	stream.indirect_vreg.gather [hbm:s5], $0x80, v0, vm1, $0x38;
	[tilespmem:$0x19320] =	vst v63  }
0x51: {  	s13 =	sshll.u32 s13, $0x4;
	_ =	swait.ge [sflag:s6], $0xC800  }
0x52: {  	s13 =	sadd.s32 s13, s9;
	[sflag:s6] =	ssyncset.done $0x0  }
0x53: {  	s17 =	sadd.s32 $0x0, s13;
	s16 =	simm.s32 $0x80;
	[sflag:s6] =	ssyncadd.s32 $0xFFFF3800  }
.LBB2_5:
0x54: {  	[hbm:s17] =	stream.linear.scatter [tilespmem:s14], [sflag:$0x3], $0x400, $0x38;
	[tilespmem:$0x19320] =	vst v63  }
0x55: {  	s17 =	smov.u32 s16;
	s14 =	smov.u32 s15;
	p1 =	sne.s32 s16, $0x1880  }
.Ltmp4:
0x56: {  	s16 =	sadd.s32 $0x80, s16;
	(pc) =	sbr.rel @p1 .LBB2_5-.Ltmp4, $2  }
0x57: {  	_ =	sdelay $0x2  }
0x58: {  	s15 =	sadd.s32 $0x400, s15;
	s17 =	sadd.s32 s17, s13  }
.Ltmp5:
0x59: {  	_ = 	snop;
	(pc) =	sbr.rel .LBB2_6-.Ltmp5, $1  }
0x5a: {  	_ =	sdelay $0x3  }
.LBB2_8:
0x5b: {  	_ =	sfence.sel $0x180000  }
0x5c: {  	s1 =	simm.s32 $0x2;
	[bflag:$0x0] =	sbarrier.arrive $0xFFFF  }
0x5d: {  	s30 =	simm.s32 $0x3;
	[sflag:s1] =	ssyncpa.u1 $0x1  }
0x5e: {  	s31 =	simm.s32 $0x1;
	[sflag:s30] =	ssyncpa.u1 $0x1  }
0x5f: {  	[sflag:s31] =	ssyncpa.u1 $0x1  }
0x60: {  	p0 =	sne.s32 s0, $0x0;
	_ =	strace $0x90000047  }
0x61: {  	s0 =	sadd.s32 @!p0 $0x100000, s2;
	[bflag:$0x2] =	sbarrier.arrive $0xFFFF  }
0x62: {  	[sflag:s0] =	ssyncadd.tile.s32 @!p0 $0x1;
	_ =	shalt  }
.Lfunc_end2:
_tile_overlayer_lowered:
.L_overlay_start_2:
0x63: {  	(tag) =	ssettag $0x2  }
0x64: {  	s0 =	rddreg [dreg:$0x0];
	s2 =	stileid.u32  }
0x65: {  	s1 =	rddreg [dreg:$0x1];
	p0 =	sne.s32 s2, $0x0  }
0x66: {  	s3 =	rddreg [dreg:$0x2];
	[bflag:$0x3] =	sbarrier.arrive $0xFFFF;
	s2 =	simm.s32 @!p0 $0x1C01  }
0x67: {  	[timem:s3], [sflag:s2] =	dma.local @!p0 [hbm:s0], s1  }
0x68: {  	s0 =	simm.s32 @!p0 $0x1  }
0x69: {  	_ =	swait.ge @!p0 [sflag:s0], s1  }
0x6a: {  	s1 =	ssub.s32 @!p0 $0x0, s1;
	[sflag:s0] =	ssyncset.done @!p0 $0x0  }
0x6b: {  	[sflag:s0] =	ssyncadd.s32 @!p0 s1  }
0x6c: {  	[bflag:$0x3] =	sbarrier.arrive $0xFFFF  }
0x6d: {  	_ =	shalt  }

// kernel: gather_offload_async_start
scs
__scs_entry_jumppad:
0x0: {  	(pc) =	sbr.rel $0x88, $3  }
0x1: {  	(tag) =	ssettag $0x0;
	lr =	simm.s32 $0x1  }
0x2: {  	[smem:$0x3F9D] =	sst lr;
	_ =	strace $0xD0000000  }
0x3: {  	_ = 	snop  }
0x4: {  	_ = 	snop  }
0x5: {  	_ = 	snop  }
0x6: {  	_ = 	snop  }
0x7: {  	_ = 	snop  }
__scs_overlays_trampoline_lowered:
0x8: {  	[smem:$0x3FAC] =	sst s0  }
0x9: {  	[smem:$0x3FAD] =	sst s1  }
0xa: {  	[smem:$0x3FAE] =	sst s2  }
0xb: {  	[smem:$0x3FAF] =	sst s3  }
0xc: {  	[smem:$0x3FB0] =	sst s4  }
0xd: {  	[smem:$0x3FB1] =	sst s5  }
0xe: {  	[smem:$0x3FB2] =	sst s6  }
0xf: {  	[smem:$0x3FB3] =	sst s7  }
0x10: {  	[smem:$0x3FB4] =	sst s8  }
0x11: {  	[smem:$0x3FB5] =	sst s9;
	s0 =	simm.s32 @!p0 $0x0  }
0x12: {  	s1 =	sld [smem:$0x3F9B];
	s0 =	simm.s32 @p0 $0x1  }
0x13: {  	[smem:$0x3FB6] =	sst s0;
	s0 =	simm.s32 @!p1 $0x0  }
0x14: {  	s2 =	sld [smem:$0x3F9A];
	s0 =	simm.s32 @p1 $0x1  }
0x15: {  	[smem:$0x3FB7] =	sst s0;
	s0 =	simm.s32 @!p2 $0x0  }
0x16: {  	s3 =	sld [smem:$0x3FDB];
	s0 =	simm.s32 @p2 $0x1  }
0x17: {  	s4 =	simm.s32 $0x1BF5;
	[smem:$0x3FB9] =	sst s0  }
0x18: {  	s0 =	sld [smem:$0x3F9C];
	_ =	swait.ge [sflag:s4], $0x0  }
0x19: {  	s7 =	sld [smem:$0x3F9D]  }
0x1a: {  	s8 =	sadd.s32 $0xFFFFE003, lr  }
0x1b: {  	s9 =	sadd.s32 $0xFFFFFEF7, lr;
	s5 =	simm.s32 $0xFFFFFFFF;
	p2 =	slt.u32 s8, $0xFFFFF086  }
0x1c: {  	p1 =	slt.u32 s9, $0xF7A;
	s5 =	simm.s32 @!p2 $0x0  }
0x1d: {  	s5 =	simm.s32 @p1 $0x1;
	p0 =	seq.s32 s7, s2  }
0x1e: {  	s7 =	smul.u32 @!p0 $0xF7A, s2;
	p2 =	seq.s32 @!p0 s5, $0x0  }
0x1f: {  	s9 =	smul.u32 $0xF7A, s1;
	s8 =	simm.s32 @!p0 $0x1BF5;
	p2 =	por !p2, p0  }
0x20: {  	[sflag:s8] =	ssyncset.s32 @!p0 $0xFFFFF086;
	s6 =	sadd.s32 @!p0 s3, s7;
	s7 =	simm.s32 @!p0 $0x108  }
0x21: {  	s3 =	sadd.s32 s3, s9;
	s6 =	sadd.s32 @!p0 $0x88, s6;
	s7 =	simm.s32 @p2 $0x1082  }
0x22: {  	[simem:s7], [sflag:s8] =	dma.local @!p0 [hbm:s6], $0xF7A  }
0x23: {  	s9 =	sor.u32 $0xD0000000, s2;
	s6 =	simm.s32 $0x108;
	_ =	swait.ge @!p0 [sflag:s8], $0x0  }
0x24: {  	s3 =	sadd.s32 $0x88, s3;
	s6 =	simm.s32 @!p1 $0x1082;
	[sflag:s4] =	ssyncset.s32 $0xFFFFF086  }
0x25: {  	[simem:s6], [sflag:s4] =	dma.local [hbm:s3], $0xF7A  }
0x26: {  	[smem:$0x3F9D] =	sst s1;
	(tag) =	ssettag s2;
	_ =	strace s9  }
0x27: {  	s1 =	sld [smem:$0x3FAD]  }
0x28: {  	s2 =	sld [smem:$0x3FAE]  }
0x29: {  	s4 =	sld [smem:$0x3FB0]  }
0x2a: {  	p0 =	seq.s32 s5, $0x0;
	s5 =	sld [smem:$0x3FB1]  }
0x2b: {  	s6 =	sld [smem:$0x3FB2]  }
0x2c: {  	s7 =	sld [smem:$0x3FB3]  }
0x2d: {  	s3 =	simm.s32 $0x108;
	s8 =	sld [smem:$0x3FB4]  }
0x2e: {  	s3 =	simm.s32 @!p0 $0x1082;
	s9 =	sld [smem:$0x3FB5]  }
0x2f: {  	lr =	sadd.s32 s0, s3;
	s0 =	sld [smem:$0x3FAC]  }
0x30: {  	s3 =	sld [smem:$0x3FAF]  }
0x31: {  	[smem:$0x3FB8] =	sst s10  }
0x32: {  	s10 =	sld [smem:$0x3FB6];
	_ =	sdelay $0x3  }
0x33: {  	p0 =	seq.s32 s10, $0x1;
	s10 =	sld [smem:$0x3FB8];
	_ =	sdelay $0x3  }
0x34: {  	[smem:$0x3FB8] =	sst s10  }
0x35: {  	s10 =	sld [smem:$0x3FB7];
	_ =	sdelay $0x3  }
0x36: {  	p1 =	seq.s32 s10, $0x1;
	s10 =	sld [smem:$0x3FB8];
	_ =	sdelay $0x3  }
0x37: {  	[smem:$0x3FB8] =	sst s10  }
0x38: {  	s10 =	sld [smem:$0x3FB9]  }
0x39: {  	_ = 	snop;
	(pc) =	sbr.ind lr, $3  }
0x3a: {  	_ = 	snop  }
0x3b: {  	_ = 	snop  }
0x3c: {  	p2 =	seq.s32 s10, $0x1;
	s10 =	sld [smem:$0x3FB8]  }
0x3d: {  	_ =	shalt  }
0x3e: {  	_ =	shalt  }
0x3f: {  	_ =	shalt  }
0x40: {  	_ =	shalt  }
0x41: {  	_ =	shalt  }
0x42: {  	_ =	shalt  }
0x43: {  	_ =	shalt  }
0x44: {  	_ =	shalt  }
0x45: {  	_ =	shalt  }
0x46: {  	_ =	shalt  }
0x47: {  	_ =	shalt  }
0x48: {  	_ =	shalt  }
0x49: {  	_ =	shalt  }
0x4a: {  	_ =	shalt  }
0x4b: {  	_ =	shalt  }
0x4c: {  	_ =	shalt  }
0x4d: {  	_ =	shalt  }
0x4e: {  	_ =	shalt  }
0x4f: {  	_ =	shalt  }
0x50: {  	_ =	shalt  }
0x51: {  	_ =	shalt  }
0x52: {  	_ =	shalt  }
0x53: {  	_ =	shalt  }
0x54: {  	_ =	shalt  }
0x55: {  	_ =	shalt  }
0x56: {  	_ =	shalt  }
0x57: {  	_ =	shalt  }
0x58: {  	_ =	shalt  }
0x59: {  	_ =	shalt  }
0x5a: {  	_ =	shalt  }
0x5b: {  	_ =	shalt  }
0x5c: {  	_ =	shalt  }
0x5d: {  	_ =	shalt  }
0x5e: {  	_ =	shalt  }
0x5f: {  	_ =	shalt  }
0x60: {  	_ =	shalt  }
0x61: {  	_ =	shalt  }
0x62: {  	_ =	shalt  }
0x63: {  	_ =	shalt  }
0x64: {  	_ =	shalt  }
0x65: {  	_ =	shalt  }
0x66: {  	_ =	shalt  }
0x67: {  	_ =	shalt  }
0x68: {  	_ =	shalt  }
0x69: {  	_ =	shalt  }
0x6a: {  	_ =	shalt  }
0x6b: {  	_ =	shalt  }
0x6c: {  	_ =	shalt  }
0x6d: {  	_ =	shalt  }
0x6e: {  	_ =	shalt  }
0x6f: {  	_ =	shalt  }
0x70: {  	_ =	shalt  }
0x71: {  	_ =	shalt  }
0x72: {  	_ =	shalt  }
0x73: {  	_ =	shalt  }
0x74: {  	_ =	shalt  }
0x75: {  	_ =	shalt  }
0x76: {  	_ =	shalt  }
0x77: {  	_ =	shalt  }
0x78: {  	_ =	shalt  }
0x79: {  	_ =	shalt  }
0x7a: {  	_ =	shalt  }
0x7b: {  	_ =	shalt  }
0x7c: {  	_ =	shalt  }
0x7d: {  	_ =	shalt  }
0x7e: {  	_ =	shalt  }
0x7f: {  	_ =	shalt  }
0x80: {  	_ =	shalt  }
0x81: {  	_ =	shalt  }
0x82: {  	_ =	shalt  }
0x83: {  	_ =	shalt  }
0x84: {  	_ =	shalt  }
0x85: {  	_ =	shalt  }
0x86: {  	_ =	shalt  }
0x87: {  	_ =	shalt  }
.Lfunc_end0:
.L_simem_size_0:
called_computation_lowered:
.L_overlay_start_0:
0x88: {  	s2 =	sld [smem:$0x3FD9]  }
0x89: {  	s3 =	sld [smem:$0x3FFE];
	_ =	sdelay $0x1  }
0x8a: {  	s1 =	srdreg.scid  }
0x8b: {  	s0 =	sand.u32 $0x1, s1  }
0x8c: {  	s16 =	sshll.u32 s0, $0xA;
	s2 =	sadd.s32 s3, s2  }
0x8d: {  	s2 =	sadd.s32 s2, s16  }
0x8e: {  	[smem:$0x3FC4] =	sst s2  }
0x8f: {  	_ = 	snop  }
0x90: {  	(tm) =	ssettm $0x1  }
0x91: {  	s17 =	sld [smem:$0x3FFB];
	_ =	sdelay $0x3  }
0x92: {  	_ =	strace s17  }
0x93: {  	s2 =	sld [smem:$0x3FFC];
	_ =	sdelay $0x3  }
0x94: {  	_ =	strace s2  }
0x95: {  	s2 =	sld [smem:$0x3FFD];
	_ =	sdelay $0x3  }
0x96: {  	_ =	strace s2  }
0x97: {  	_ =	strace $0x8FFFFFFF  }
0x98: {  	s18 =	sld [smem:$0x3FDB];
	_ =	sdelay $0x1  }
0x99: {  	s19 =	simm.s32 $_scs_section_size  }
0x9a: {  	s4 =	simm.s32 $_size__tile_overlayer_lowered;
	s5 =	simm.s32 $_tile_overlayer_lowered  }
0x9b: {  	s22 =	simm.s32 $0x1BFF;
	s21 =	sshll.u32 s5, $0x1;
	s2 =	sadd.s32 s19, s18  }
0x9c: {  	s6 =	simm.s32 $0x0;
	s20 =	sshll.u32 s4, $0x1;
	s4 =	sadd.s32 s21, s2  }
0x9d: {  	[timem:s6], [sflag:s22] =	dma.local [hbm:s4], s20  }
0x9e: {  	_ =	swait.ge [sflag:s22], s20  }
0x9f: {  	s3 =	ssub.s32 $0x0, s20;
	[sflag:s22] =	ssyncset.done $0x0  }
0xa0: {  	[sflag:s22] =	ssyncadd.s32 s3;
	_ =	sdelay $0x1  }
0xa1: {  	s23 =	simm.s32 $0x1B8B  }
0xa2: {  	_ =	swait.ge [sflag:s23], $0x1  }
0xa3: {  	[sflag:s23] =	ssyncset.done $0x0  }
0xa4: {  	s25 =	simm.s32 $0x1B8E;
	s24 =	sld [smem:$0x3FFE];
	[sflag:s23] =	ssyncadd.s32 $0xFFFFFFFF  }
0xa5: {  	s26 =	simm.s32 $execute0_lowered;
	[smem:$0x3FD2] =	sst s25  }
0xa6: {  	s4 =	sshll.u32 s26, $0x1;
	_ =	strace $0x80000049;
	[dreg:$0x1] =	wrdreg $0xFFFFFFFF  }
0xa7: {  	s28 =	simm.s32 $_size_execute0_lowered;
	s2 =	sadd.s32 s2, s4;
	[dreg:$0x0] =	wrdreg $0x0  }
0xa8: {  	s4 =	sshll.u32 s28, $0x1;
	[dreg:$0x2] =	wrdreg s2  }
0xa9: {  	[dreg:$0x3] =	wrdreg s4  }
0xaa: {  	[dreg:$0x4] =	wrdreg $0xC0  }
0xab: {  	_ =	task [dreg:s6], $0x5FFFF  }
0xac: {  	[dreg:$0x1] =	wrdreg $0xFFFFFFFF  }
0xad: {  	[dreg:$0x0] =	wrdreg $0x60  }
0xae: {  	[dreg:$0x2] =	wrdreg s24  }
0xaf: {  	[dreg:$0x3] =	wrdreg $0x9  }
0xb0: {  	_ =	task.clear_ibuf [dreg:s6], $0x4FFFF;
	_ =	strace $0x90000049  }
0xb1: {  	s29 =	simm.s32 $0x9;
	_ =	strace $0x8000004B  }
0xb2: {  	_ =	swait.ge [sflag:s29], $0x1  }
0xb3: {  	[sflag:s29] =	ssyncadd.s32 $0xFFFFFFFF  }
0xb4: {  	_ =	strace $0x9000004B  }
0xb5: {  	_ =	sfence  }
0xb6: {  	s30 =	sld [smem:$0x0];
	_ =	sdelay $0x2  }
0xb7: {  	s31 =	sshll.u32 s1, $0xD;
	s1 =	sshrl.u32 s1, $0x2  }
0xb8: {  	s3 =	sand.u32 $0x4000, s31;
	s1 =	sadd.s32 s1, s30  }
0xb9: {  	s0 =	sor.u32 s3, s0;
	s1 =	sshll.u32 s1, $0x11  }
0xba: {  	s0 =	sor.u32 s1, s0  }
0xbb: {  	s0 =	sadd.s32 $0x8F2B, s0  }
0xbc: {  	[sflag:s0] =	ssyncadd.remote.s32 $0x1  }
0xbd: {  	_ =	sfence.sel $0xFFFF  }
0xbe: {  	[dreg:$0x0] =	wrdreg $0xFFFFFFFF;
	(pc) =	sbr.abs _section_cstart, $3  }
0xbf: {  	[dreg:$0x1] =	wrdreg $0xFFFFFFFF  }
0xc0: {  	_ =	task.clear_ibuf [dreg:s6], $0x2FFFF;
	_ =	strace $0x9FFFFFFF  }
0xc1: {  	(tm) =	ssettm $0x7FFFFFFF  }
tec
execute0_lowered:
.L_overlay_start_1:
0x0: {  	(tag) =	ssettag $0x1  }
0x1: {  	s0 =	srdreg.scid  }
0x2: {  	s1 =	sshll.u32 s0, $0x4  }
0x3: {  	s0 =	stileid.u32;
	s1 =	sand.u32 $0x10, s1  }
0x4: {  	s2 =	sor.u32 s0, s1  }
0x5: {  	s1 =	smin.u32 s2, $0x12  }
0x6: {  	s1 =	sadd.s32 s2, s1  }
0x7: {  	p0 =	slt.u32 s2, $0x12;
	s2 =	simm.s32 $0x320;
	s1 =	smul.u32 $0x190, s1  }
0x8: {  	s2 =	simm.s32 @!p0 $0x190  }
0x9: {  	s2 =	sadd.s32 s2, s1  }
0xa: {  	s3 =	smin.u32 s2, $0x4E20  }
0xb: {  	s7 =	ssub.s32 s3, s1  }
0xc: {  	p0 =	sgt.s32 s7, $0x0  }
0xd: {  	s7 =	simm.s32 @!p0 $0x0  }
0xe: {  	s31 =	sand.u32 $0xFFF0, s7  }
0xf: {  	s2 =	sshrl.u32 s31, $0x4  }
0x10: {  	s2 =	smul.u32 $0xA3E, s2  }
0x11: {  	s4 =	rddreg [dreg:$0x0];
	s6 =	simm.s32 $0x1  }
0x12: {  	s10 =	simm.s32 $0x3;
	s13 =	simm.s32 $0x0;
	s8 =	sshrl.u32 s2, $0x10  }
0x13: {  	s12 =	simm.s32 $0x0;
	s5 =	sadd.s32 $0x9CE00, s4;
	s9 =	smul.u32 $0x190, s8  }
.Ltmp0:
0x14: {  	s11 =	smov.u32 s1;
	s2 =	rddreg [dreg:$0x1];
	(pc) =	sbr.rel .LBB2_1-.Ltmp0, $4  }
0x15: {  	_ =	strace $0x8000004A;
	p0 =	sne.s32 s7, s9;
	s9 =	simm.s32 $0x1  }
0x16: {  	[sflag:s6] =	ssyncpa.u1 $0x0;
	s7 =	simm.s32 $0x2;
	s9 =	simm.s32 @!p0 $0x0  }
0x17: {  	[sflag:s7] =	ssyncpa.u1 $0x0;
	p0 =	por $0x0, $0x0;
	s8 =	sadd.s32 s8, s9  }
0x18: {  	vm0 =	vmmov $0xff;
	vm1 =	vcmask $0x3F20;
	s9 =	sadd.s32 $0xA00, s4;
	[sflag:s10] =	ssyncpa.u1 $0x0;
	s10 =	sadd.s32 $0x1, s8  }
.LBB2_6:
0x19: {  	[hbm:s17] =	stream.linear.scatter [tilespmem:s14], [sflag:$0x3], $0x400, $0x38;
	[tilespmem:$0x19320] =	vst v63  }
.LBB2_7:
0x1a: {  	s13 =	sadd.s32 $0x190, s11  }
0x1b: {  	s15 =	smov.u32 s1;
	p2 =	slt.s32 s13, s3  }
0x1c: {  	s15 =	smov.u32 @p2 s13;
	p2 =	sne.s32 s12, s10  }
.Ltmp1:
0x1d: {  	p1 =	slt.u32 s12, $0x2;
	(pc) =	sbr.rel @!p2 .LBB2_8-.Ltmp1, $4  }
0x1e: {  	s14 =	simm.s32 @!p1 $0x3  }
0x1f: {  	s16 =	sadd.s32 $0x1, s12;
	_ =	swait.ge @!p1 [sflag:s14], $0xC800  }
0x20: {  	p0 =	por !p0, !p0;
	s13 =	smov.u32 s11;
	[sflag:s14] =	ssyncset.done @!p1 $0x0  }
0x21: {  	s12 =	smov.u32 s16;
	s11 =	smov.u32 s15;
	[sflag:s14] =	ssyncadd.s32 @!p1 $0xFFFF3800  }
.LBB2_1:
0x22: {  	p1 =	sge.u32 s12, s8  }
0x23: {  	s14 =	sxor.u32 @!p1 $0xFFFFFFFF, s12  }
0x24: {  	s14 =	sand.u32 @!p1 $0x1, s14  }
0x25: {  	s14 =	smul.u32 @!p1 $0x640, s14  }
0x26: {  	s31 =	sadd.s32 $0xFFFFFFFF, s12;
	s15 =	sshrl.u32 @!p1 s11, $0x3  }
0x27: {  	s16 =	sand.u32 @!p1 $0x7, s11;
	s15 =	sadd.s32 @!p1 s4, s15;
	s14 =	sshrl.u32 @!p1 s14, $0x2  }
0x28: {  	[tilespmem:s14], [sflag:$0x2] =	stream.linear.gather @!p1 [hbm4b:s15+s16], $0x190, $0x38;
	[tilespmem:$0x19320] =	vst v63  }
0x29: {  	p1 =	sge.u32 s31, s8  }
.Ltmp2:
0x2a: {  	_ = 	snop;
	(pc) =	sbr.rel @p1 .LBB2_7-.Ltmp2, $1  }
0x2b: {  	_ =	sdelay $0x3  }
0x2c: {  	s14 =	simm.s32 $0x1  }
0x2d: {  	s14 =	simm.s32 @!p0 $0x0  }
0x2e: {  	s15 =	smul.u32 $0x640, s14  }
0x2f: {  	_ =	swait.ge [sflag:s7], $0x190  }
0x30: {  	[sflag:s7] =	ssyncset.done $0x0;
	s16 =	sshrl.u32 s15, $0x2  }
0x31: {  	[sflag:s7] =	ssyncadd.s32 $0xFFFFFE70;
	s15 =	sadd.s32 $0x0, s16  }
0x32: {  	v0 =	vld.msk [tilespmem:s15+$0x0 ss:$0x1], $0xffff;
	_ =	sdelay $0x4  }
0x33: {  	vm2 =	vgt.s32 v0, $0x0  }
0x34: {  	v0 =	vnsel vm2, $0x0, v0  }
0x35: {  	v0 =	vmin.u32 v0, $0x4E1F  }
0x36: {  	v0 =	vshll.u32 v0, $0x4  }
0x37: {  	s14 =	smul.u32 $0x32000, s14;
	_ =	sdelay $0x1  }
0x38: {  	s14 =	sshrl.u32 s14, $0x2  }
0x39: {  	s14 =	sor.u32 $0x320, s14  }
0x3a: {  	[tilespmem:s14], [sflag:$0x1] =	stream.indirect_vreg.gather [hbm:s5], $0x80, v0, vm0, $0x38;
	[tilespmem:$0x19320] =	vst v63  }
0x3b: {  	s17 =	sadd.s32 $0x10, s16;
	s15 =	sadd.s32 $0x400, s14  }
0x3c: {  	[tilespmem:s15], [sflag:$0x1] =	stream.indirect_vreg.gather [hbm:s5], $0x80, v0, vm1, $0x38;
	[tilespmem:$0x19320] =	vst v63  }
0x3d: {  	s18 =	simm.s32 $0x80;
	v0 =	vld.msk [tilespmem:s17+$0x0 ss:$0x1], $0xffff;
	s17 =	smov.u32 s14  }
.LBB2_3:
0x3e: {  	p1 =	sne.s32 s18, $0x600;
	_ =	sdelay $0x4  }
0x3f: {  	vm2 =	vgt.s32 v0, $0x0  }
0x40: {  	v0 =	vnsel vm2, $0x0, v0  }
0x41: {  	v0 =	vmin.u32 v0, $0x4E1F  }
0x42: {  	v0 =	vshll.u32 v0, $0x4;
	_ =	sdelay $0x3  }
.Ltmp3:
0x43: {  	s19 =	sshra.s32 s18, $0x2;
	s17 =	sadd.s32 $0x800, s17;
	(pc) =	sbr.rel @p1 .LBB2_3-.Ltmp3, $4  }
0x44: {  	[tilespmem:s17], [sflag:$0x1] =	stream.indirect_vreg.gather [hbm:s5], $0x80, v0, vm0, $0x38;
	[tilespmem:$0x19320] =	vst v63  }
0x45: {  	s19 =	sadd.s32 s19, s16;
	s20 =	sadd.s32 $0x400, s17  }
0x46: {  	[tilespmem:s20], [sflag:$0x1] =	stream.indirect_vreg.gather [hbm:s5], $0x80, v0, vm1, $0x38;
	[tilespmem:$0x19320] =	vst v63  }
0x47: {  	s18 =	sadd.s32 $0x40, s18;
	v0 =	vld.msk [tilespmem:s19+$0x0 ss:$0x1], $0xffff  }
0x48: {  	_ =	sdelay $0x3  }
0x49: {  	vm2 =	vgt.s32 v0, $0x0  }
0x4a: {  	v0 =	vnsel vm2, $0x0, v0  }
0x4b: {  	v0 =	vmin.u32 v0, $0x4E1F  }
0x4c: {  	v0 =	vshll.u32 v0, $0x4;
	_ =	sdelay $0x3  }
0x4d: {  	s16 =	sadd.s32 $0x800, s17  }
0x4e: {  	[tilespmem:s16], [sflag:$0x1] =	stream.indirect_vreg.gather [hbm:s5], $0x80, v0, vm0, $0x38;
	[tilespmem:$0x19320] =	vst v63  }
0x4f: {  	s16 =	sadd.s32 $0x400, s16  }
0x50: {  	[tilespmem:s16], [sflag:$0x1] =	stream.indirect_vreg.gather [hbm:s5], $0x80, v0, vm1, $0x38;
	[tilespmem:$0x19320] =	vst v63  }
0x51: {  	s13 =	sshll.u32 s13, $0x4;
	_ =	swait.ge [sflag:s6], $0xC800  }
0x52: {  	s13 =	sadd.s32 s13, s9;
	[sflag:s6] =	ssyncset.done $0x0  }
0x53: {  	s17 =	sadd.s32 $0x0, s13;
	s16 =	simm.s32 $0x80;
	[sflag:s6] =	ssyncadd.s32 $0xFFFF3800  }
.LBB2_5:
0x54: {  	[hbm:s17] =	stream.linear.scatter [tilespmem:s14], [sflag:$0x3], $0x400, $0x38;
	[tilespmem:$0x19320] =	vst v63  }
0x55: {  	s17 =	smov.u32 s16;
	s14 =	smov.u32 s15;
	p1 =	sne.s32 s16, $0x1880  }
.Ltmp4:
0x56: {  	s16 =	sadd.s32 $0x80, s16;
	(pc) =	sbr.rel @p1 .LBB2_5-.Ltmp4, $2  }
0x57: {  	_ =	sdelay $0x2  }
0x58: {  	s15 =	sadd.s32 $0x400, s15;
	s17 =	sadd.s32 s17, s13  }
.Ltmp5:
0x59: {  	_ = 	snop;
	(pc) =	sbr.rel .LBB2_6-.Ltmp5, $1  }
0x5a: {  	_ =	sdelay $0x3  }
.LBB2_8:
0x5b: {  	_ =	sfence.sel $0x180000  }
0x5c: {  	s1 =	simm.s32 $0x2;
	[bflag:$0x0] =	sbarrier.arrive $0xFFFF  }
0x5d: {  	s30 =	simm.s32 $0x3;
	[sflag:s1] =	ssyncpa.u1 $0x1  }
0x5e: {  	s31 =	simm.s32 $0x1;
	[sflag:s30] =	ssyncpa.u1 $0x1  }
0x5f: {  	[sflag:s31] =	ssyncpa.u1 $0x1  }
0x60: {  	p0 =	sne.s32 s0, $0x0;
	_ =	strace $0x9000004A  }
0x61: {  	s0 =	sadd.s32 @!p0 $0x100000, s2;
	[bflag:$0x2] =	sbarrier.arrive $0xFFFF  }
0x62: {  	[sflag:s0] =	ssyncadd.tile.s32 @!p0 $0x1;
	_ =	shalt  }
.Lfunc_end2:
_tile_overlayer_lowered:
.L_overlay_start_2:
0x63: {  	(tag) =	ssettag $0x2  }
0x64: {  	s0 =	rddreg [dreg:$0x0];
	s2 =	stileid.u32  }
0x65: {  	s1 =	rddreg [dreg:$0x1];
	p0 =	sne.s32 s2, $0x0  }
0x66: {  	s3 =	rddreg [dreg:$0x2];
	[bflag:$0x3] =	sbarrier.arrive $0xFFFF;
	s2 =	simm.s32 @!p0 $0x1C01  }
0x67: {  	[timem:s3], [sflag:s2] =	dma.local @!p0 [hbm:s0], s1  }
0x68: {  	s0 =	simm.s32 @!p0 $0x1  }
0x69: {  	_ =	swait.ge @!p0 [sflag:s0], s1  }
0x6a: {  	s1 =	ssub.s32 @!p0 $0x0, s1;
	[sflag:s0] =	ssyncset.done @!p0 $0x0  }
0x6b: {  	[sflag:s0] =	ssyncadd.s32 @!p0 s1  }
0x6c: {  	[bflag:$0x3] =	sbarrier.arrive $0xFFFF  }
0x6d: {  	_ =	shalt  }

</sc_bundles>
